<compile_context>
chip_gen: v7x
topology: tpu7x:2x2x1
jax: 0.10.2.dev20260603
libtpu: 0.0.44.dev20260713+nightly
codegen_flags: <defaults>
</compile_context>

<pallas_src>
import functools

import jax
import jax.numpy as jnp
from jax import lax
from jax.experimental import pallas as pl
from jax.experimental.pallas import tpu as pltpu
from jax.experimental.pallas import tpu_sc as plsc

VOCAB = 1000000
D = 32
B = 16384
H = 200

CV = 16384
NBLK = -(-VOCAB // CV)
VP = NBLK * CV

NC = 2
NS = 16
NW = NC * NS
RPW = B // NW
IC = 32
NGRP = RPW // IC
G0 = 128
G1 = H - G0
U = 8
NACC = 4
NBUF = 4

_mesh = plsc.VectorSubcoreMesh(
    core_axis_name="c", subcore_axis_name="s", num_cores=NC, num_subcores=NS
)


def _repack_body(in_ref, out_ref):
    tt = jnp.swapaxes(in_ref[...], 0, 1)
    r3 = tt.reshape(CV // 4, 4, D)
    for a in range(4):
        out_ref[:, D * a:D * (a + 1)] = r3[:, a, :]


def _tc_repack(wt):
    return pl.pallas_call(
        _repack_body,
        grid=(NBLK,),
        in_specs=[pl.BlockSpec((D, CV), lambda c: (0, c))],
        out_specs=pl.BlockSpec((CV // 4, 128), lambda c: (c, 0)),
        out_shape=jax.ShapeDtypeStruct((VP // 4, 128), jnp.float32),
    )(wt)


@functools.partial(
    pl.kernel,
    out_type=jax.ShapeDtypeStruct((B, D), jnp.float32),
    mesh=_mesh,
    compiler_params=pltpu.CompilerParams(use_tc_tiling_on_sc=False),
    scratch_types=[
        pltpu.VMEM((IC, H), jnp.int32),
        pltpu.VMEM((NBUF, H, D), jnp.float32),
        pltpu.VMEM((IC, D), jnp.float32),
    ]
    + [pltpu.SemaphoreType.DMA for _ in range(NBUF)],
)
def _encode(x_hbm, w_hbm, out_hbm, idx_v, rows_v, out_v, *sems):
    wid = lax.axis_index("s") * NC + lax.axis_index("c")
    base_row = wid * RPW
    inv_h = jnp.float32(1.0 / H)

    def copies(r, b):
        row_idx = idx_v.at[r]
        cp0 = pltpu.make_async_copy(
            w_hbm.at[row_idx.at[pl.ds(0, G0)]],
            rows_v.at[b].at[pl.ds(0, G0)],
            sems[b],
        )
        cp1 = pltpu.make_async_copy(
            w_hbm.at[row_idx.at[pl.ds(G0, G1)]],
            rows_v.at[b].at[pl.ds(G0, G1)],
            sems[b],
        )
        return cp0, cp1

    def fire(r, b):
        for cp in copies(r, b):
            cp.start()

    def drain(r, b):
        for cp in copies(r, b):
            cp.wait()

    def accumulate(b):
        def acc_body(it, carry):
            a = list(carry)
            base = it * U
            for u in range(U):
                j = base + u
                k = u % NACC
                a[2 * k] = a[2 * k] + rows_v[b, j, pl.ds(0, 16)]
                a[2 * k + 1] = a[2 * k + 1] + rows_v[b, j, pl.ds(16, 16)]
            return tuple(a)

        zeros = tuple(jnp.zeros((16,), jnp.float32) for _ in range(2 * NACC))
        a = lax.fori_loop(0, H // U, acc_body, zeros)
        lo = (a[0] + a[2]) + (a[4] + a[6])
        hi = (a[1] + a[3]) + (a[5] + a[7])
        return lo * inv_h, hi * inv_h

    def group_body(g, _):
        grp_row = base_row + g * IC
        pltpu.sync_copy(x_hbm.at[pl.ds(grp_row, IC)], idx_v)
        for b in range(NBUF):
            fire(b, b)

        def ring_body(rr, _):
            for b in range(NBUF):
                r = rr * NBUF + b
                drain(r, b)

                @pl.when(rr < IC // NBUF - 1)
                def _():
                    fire(r + NBUF, b)

                lo, hi = accumulate(b)
                out_v[r, pl.ds(0, 16)] = lo
                out_v[r, pl.ds(16, 16)] = hi
            return 0

        lax.fori_loop(0, IC // NBUF, ring_body, 0)
        pltpu.sync_copy(out_v, out_hbm.at[pl.ds(grp_row, IC)])
        return 0

    lax.fori_loop(0, NGRP, group_body, 0)


def kernel(x, W):
    w_lin = _tc_repack(W.T).reshape(VP, D)
    return _encode(x, w_lin)

# --- scband reference (transcript-rebuilt; emitter-appended) ---
"""Pipeline reference for scband-simple-encode-model-14293651161275 (READ-ONLY COPY).

The authoritative reference and input builder live on the scoring server;
editing this copy changes nothing except your own understanding.
"""

import jax, jax.numpy as jnp
import numpy as np

VOCAB = 1000000
EMBED_DIM = 32
BATCH = 16384
HIST = 200

def setup_inputs(seed: int = 0) -> dict:
    key = jax.random.key(seed)
    k_idx, k_w = jax.random.split(key)
    x = jax.random.randint(k_idx, (BATCH, HIST), 0, VOCAB, dtype=jnp.int64 if jax.config.jax_enable_x64 else jnp.int32).astype(jnp.int32)
    W = jax.random.normal(k_w, (VOCAB, EMBED_DIM), dtype=jnp.float32)
    return {"x": x, "W": W}

def reference(x, W):
    # embedding lookup: gather rows of W by indices x -> [B, L, D]
    emb = jnp.take(W, x, axis=0)
    # mean over sequence dimension (dim=1), as in the torch forward
    out = emb.mean(axis=1)
    return out

if __name__ == "__main__":
    import jax
    _d = setup_inputs()
    print(jax.jit(kernel)(*tuple(_d.values())))

</pallas_src>

<mosaic_0001>
#map = affine_map<(d0, d1) -> (0, 0)>
module attributes {stable_mosaic.version = 14 : i64} {
  func.func @_encode(%arg0: i32, %arg1: i32, %arg2: memref<16384x200xi32, #tpu.memory_space<hbm>>, %arg3: memref<1015808x32xf32, #tpu.memory_space<hbm>>, %arg4: memref<16384x32xf32, #tpu.memory_space<hbm>>, %arg5: memref<32x200xi32, #tpu.memory_space<vmem>>, %arg6: memref<4x200x32xf32, #tpu.memory_space<vmem>>, %arg7: memref<32x32xf32, #tpu.memory_space<vmem>>, %arg8: memref<!tpu.dma_semaphore, #tpu.memory_space<semaphore_mem>>, %arg9: memref<!tpu.dma_semaphore, #tpu.memory_space<semaphore_mem>>, %arg10: memref<!tpu.dma_semaphore, #tpu.memory_space<semaphore_mem>>, %arg11: memref<!tpu.dma_semaphore, #tpu.memory_space<semaphore_mem>>) attributes {dimension_semantics = [#tpu.dimension_semantics<core_parallel>, #tpu.dimension_semantics<subcore_parallel>], iteration_bounds = array<i64: 2, 16>, scalar_prefetch = 0 : i64, scratch_operands = 7 : i64, tpu.core_type = #tpu.core_type<sc_vector_subcore>, window_params = [{transform_indices = #map}, {transform_indices = #map}, {transform_indices = #map}]} {
    %mul3A = arith.constant 2 : i32
    %mul3A_0 = arith.muli %arg1, %mul3A : i32
    %add3A = arith.addi %mul3A_0, %arg0 : i32
    %mul3A_1 = arith.constant 512 : i32
    %mul3A_2 = arith.muli %add3A, %mul3A_1 : i32
    %scan3A = arith.constant 5.000000e-03 : f32
    %scan3A_3 = arith.constant 0 : i32
    %scan3A_4 = arith.constant 0 : i32
    %scan3A_5 = arith.constant 16 : i32
    %scan3A_6 = arith.addi %scan3A_4, %scan3A_5 : i32
    %scan3A_7 = arith.constant 1 : i32
    %scan3A_8 = scf.for %scan3A_10 = %scan3A_4 to %scan3A_6 step %scan3A_7 iter_args(%scan3A_11 = %scan3A_3) -> (i32)  : i32 {
      %mul3A_12 = arith.constant 32 : i32
      %mul3A_13 = arith.muli %scan3A_10, %mul3A_12 : i32
      %add3A_14 = arith.addi %mul3A_2, %mul3A_13 : i32
      "tpu.region"() ({
        %run_scoped3A = tpu.sem_alloc : memref<!tpu.dma_semaphore, #tpu.memory_space<semaphore_mem>>
        %dma_start3A_158 = arith.constant 0 : i32
        %dma_start3A_159 = tpu.memref_slice %arg2[%add3A_14, %dma_start3A_158] : memref<16384x200xi32, #tpu.memory_space<hbm>> -> memref<32x200xi32, #tpu.memory_space<hbm>>
        %dma_start3A_160 = arith.constant 0 : i32
        %dma_start3A_161 = tpu.memref_slice %arg2[%add3A_14, %dma_start3A_160] : memref<16384x200xi32, #tpu.memory_space<hbm>> -> memref<32x200xi32, #tpu.memory_space<hbm>>
        tpu.enqueue_dma source(%dma_start3A_161 : memref<32x200xi32, #tpu.memory_space<hbm>>) target(%arg5 : memref<32x200xi32, #tpu.memory_space<vmem>>) target_semaphore(%run_scoped3A : memref<!tpu.dma_semaphore, #tpu.memory_space<semaphore_mem>>)
        %dma_wait3A = arith.constant 0 : i32
        %dma_wait3A_162 = tpu.memref_slice %arg2[%add3A_14, %dma_wait3A] : memref<16384x200xi32, #tpu.memory_space<hbm>> -> memref<32x200xi32, #tpu.memory_space<hbm>>
        %dma_wait3A_163 = arith.constant 0 : i32
        %dma_wait3A_164 = tpu.memref_slice %arg2[%add3A_14, %dma_wait3A_163] : memref<16384x200xi32, #tpu.memory_space<hbm>> -> memref<32x200xi32, #tpu.memory_space<hbm>>
        tpu.wait_dma2 semaphore(%run_scoped3A : memref<!tpu.dma_semaphore, #tpu.memory_space<semaphore_mem>>) src(%dma_wait3A_164 : memref<32x200xi32, #tpu.memory_space<hbm>>) dst(%arg5 : memref<32x200xi32, #tpu.memory_space<vmem>>)
        tpu.yield
      }) : () -> ()
      %dma_start3A = arith.constant 0 : i32
      %dma_start3A_15 = arith.constant 0 : i32
      %dma_start3A_16 = arith.constant 0 : i32
      %dma_start3A_17 = arith.constant 0 : i32
      %dma_start3A_18 = tpu.memref_slice %arg6[%dma_start3A_15, %dma_start3A_16, %dma_start3A_17] : memref<4x200x32xf32, #tpu.memory_space<vmem>> -> memref<1x200x32xf32, #tpu.memory_space<vmem>>
      %dma_start3A_19 = tpu.memref_squeeze %dma_start3A_18 : memref<1x200x32xf32, #tpu.memory_space<vmem>> -> memref<200x32xf32, #tpu.memory_space<vmem>>
      %dma_start3A_20 = arith.constant 0 : i32
      %dma_start3A_21 = arith.constant 0 : i32
      %dma_start3A_22 = tpu.memref_slice %dma_start3A_19[%dma_start3A_20, %dma_start3A_21] : memref<200x32xf32, #tpu.memory_space<vmem>> -> memref<128x32xf32, #tpu.memory_space<vmem>>
      %dma_start3A_23 = arith.constant 0 : i32
      %dma_start3A_24 = tpu.memref_slice %arg5[%dma_start3A, %dma_start3A_23] : memref<32x200xi32, #tpu.memory_space<vmem>> -> memref<1x200xi32, #tpu.memory_space<vmem>>
      %dma_start3A_25 = tpu.memref_squeeze %dma_start3A_24 : memref<1x200xi32, #tpu.memory_space<vmem>> -> memref<200xi32, #tpu.memory_space<vmem>>
      %dma_start3A_26 = arith.constant 0 : i32
      %dma_start3A_27 = tpu.memref_slice %dma_start3A_25[%dma_start3A_26] : memref<200xi32, #tpu.memory_space<vmem>> -> memref<128xi32, #tpu.memory_space<vmem>>
      %dma_start3A_28 = arith.constant 0 : i32
      %dma_start3A_29 = arith.constant 0 : i32
      %dma_start3A_30 = tpu.memref_slice %arg3[%dma_start3A_28, %dma_start3A_29] : memref<1015808x32xf32, #tpu.memory_space<hbm>> -> memref<1015808x32xf32, #tpu.memory_space<hbm>>
      tpu.enqueue_indirect_dma source(%dma_start3A_30 : memref<1015808x32xf32, #tpu.memory_space<hbm>>) target(%dma_start3A_22 : memref<128x32xf32, #tpu.memory_space<vmem>>) offsets(%dma_start3A_27 : memref<128xi32, #tpu.memory_space<vmem>>) semaphore(%arg8 : memref<!tpu.dma_semaphore, #tpu.memory_space<semaphore_mem>>)
      %dma_start3A_31 = arith.constant 0 : i32
      %dma_start3A_32 = arith.constant 0 : i32
      %dma_start3A_33 = arith.constant 0 : i32
      %dma_start3A_34 = arith.constant 0 : i32
      %dma_start3A_35 = tpu.memref_slice %arg6[%dma_start3A_32, %dma_start3A_33, %dma_start3A_34] : memref<4x200x32xf32, #tpu.memory_space<vmem>> -> memref<1x200x32xf32, #tpu.memory_space<vmem>>
      %dma_start3A_36 = tpu.memref_squeeze %dma_start3A_35 : memref<1x200x32xf32, #tpu.memory_space<vmem>> -> memref<200x32xf32, #tpu.memory_space<vmem>>
      %dma_start3A_37 = arith.constant 128 : i32
      %dma_start3A_38 = arith.constant 0 : i32
      %dma_start3A_39 = tpu.memref_slice %dma_start3A_36[%dma_start3A_37, %dma_start3A_38] : memref<200x32xf32, #tpu.memory_space<vmem>> -> memref<72x32xf32, #tpu.memory_space<vmem>>
      %dma_start3A_40 = arith.constant 0 : i32
      %dma_start3A_41 = tpu.memref_slice %arg5[%dma_start3A_31, %dma_start3A_40] : memref<32x200xi32, #tpu.memory_space<vmem>> -> memref<1x200xi32, #tpu.memory_space<vmem>>
      %dma_start3A_42 = tpu.memref_squeeze %dma_start3A_41 : memref<1x200xi32, #tpu.memory_space<vmem>> -> memref<200xi32, #tpu.memory_space<vmem>>
      %dma_start3A_43 = arith.constant 128 : i32
      %dma_start3A_44 = tpu.memref_slice %dma_start3A_42[%dma_start3A_43] : memref<200xi32, #tpu.memory_space<vmem>> -> memref<72xi32, #tpu.memory_space<vmem>>
      %dma_start3A_45 = arith.constant 0 : i32
      %dma_start3A_46 = arith.constant 0 : i32
      %dma_start3A_47 = tpu.memref_slice %arg3[%dma_start3A_45, %dma_start3A_46] : memref<1015808x32xf32, #tpu.memory_space<hbm>> -> memref<1015808x32xf32, #tpu.memory_space<hbm>>
      tpu.enqueue_indirect_dma source(%dma_start3A_47 : memref<1015808x32xf32, #tpu.memory_space<hbm>>) target(%dma_start3A_39 : memref<72x32xf32, #tpu.memory_space<vmem>>) offsets(%dma_start3A_44 : memref<72xi32, #tpu.memory_space<vmem>>) semaphore(%arg8 : memref<!tpu.dma_semaphore, #tpu.memory_space<semaphore_mem>>)
      %dma_start3A_48 = arith.constant 1 : i32
      %dma_start3A_49 = arith.constant 1 : i32
      %dma_start3A_50 = arith.constant 0 : i32
      %dma_start3A_51 = arith.constant 0 : i32
      %dma_start3A_52 = tpu.memref_slice %arg6[%dma_start3A_49, %dma_start3A_50, %dma_start3A_51] : memref<4x200x32xf32, #tpu.memory_space<vmem>> -> memref<1x200x32xf32, #tpu.memory_space<vmem>>
      %dma_start3A_53 = tpu.memref_squeeze %dma_start3A_52 : memref<1x200x32xf32, #tpu.memory_space<vmem>> -> memref<200x32xf32, #tpu.memory_space<vmem>>
      %dma_start3A_54 = arith.constant 0 : i32
      %dma_start3A_55 = arith.constant 0 : i32
      %dma_start3A_56 = tpu.memref_slice %dma_start3A_53[%dma_start3A_54, %dma_start3A_55] : memref<200x32xf32, #tpu.memory_space<vmem>> -> memref<128x32xf32, #tpu.memory_space<vmem>>
      %dma_start3A_57 = arith.constant 0 : i32
      %dma_start3A_58 = tpu.memref_slice %arg5[%dma_start3A_48, %dma_start3A_57] : memref<32x200xi32, #tpu.memory_space<vmem>> -> memref<1x200xi32, #tpu.memory_space<vmem>>
      %dma_start3A_59 = tpu.memref_squeeze %dma_start3A_58 : memref<1x200xi32, #tpu.memory_space<vmem>> -> memref<200xi32, #tpu.memory_space<vmem>>
      %dma_start3A_60 = arith.constant 0 : i32
      %dma_start3A_61 = tpu.memref_slice %dma_start3A_59[%dma_start3A_60] : memref<200xi32, #tpu.memory_space<vmem>> -> memref<128xi32, #tpu.memory_space<vmem>>
      %dma_start3A_62 = arith.constant 0 : i32
      %dma_start3A_63 = arith.constant 0 : i32
      %dma_start3A_64 = tpu.memref_slice %arg3[%dma_start3A_62, %dma_start3A_63] : memref<1015808x32xf32, #tpu.memory_space<hbm>> -> memref<1015808x32xf32, #tpu.memory_space<hbm>>
      tpu.enqueue_indirect_dma source(%dma_start3A_64 : memref<1015808x32xf32, #tpu.memory_space<hbm>>) target(%dma_start3A_56 : memref<128x32xf32, #tpu.memory_space<vmem>>) offsets(%dma_start3A_61 : memref<128xi32, #tpu.memory_space<vmem>>) semaphore(%arg9 : memref<!tpu.dma_semaphore, #tpu.memory_space<semaphore_mem>>)
      %dma_start3A_65 = arith.constant 1 : i32
      %dma_start3A_66 = arith.constant 1 : i32
      %dma_start3A_67 = arith.constant 0 : i32
      %dma_start3A_68 = arith.constant 0 : i32
      %dma_start3A_69 = tpu.memref_slice %arg6[%dma_start3A_66, %dma_start3A_67, %dma_start3A_68] : memref<4x200x32xf32, #tpu.memory_space<vmem>> -> memref<1x200x32xf32, #tpu.memory_space<vmem>>
      %dma_start3A_70 = tpu.memref_squeeze %dma_start3A_69 : memref<1x200x32xf32, #tpu.memory_space<vmem>> -> memref<200x32xf32, #tpu.memory_space<vmem>>
      %dma_start3A_71 = arith.constant 128 : i32
      %dma_start3A_72 = arith.constant 0 : i32
      %dma_start3A_73 = tpu.memref_slice %dma_start3A_70[%dma_start3A_71, %dma_start3A_72] : memref<200x32xf32, #tpu.memory_space<vmem>> -> memref<72x32xf32, #tpu.memory_space<vmem>>
      %dma_start3A_74 = arith.constant 0 : i32
      %dma_start3A_75 = tpu.memref_slice %arg5[%dma_start3A_65, %dma_start3A_74] : memref<32x200xi32, #tpu.memory_space<vmem>> -> memref<1x200xi32, #tpu.memory_space<vmem>>
      %dma_start3A_76 = tpu.memref_squeeze %dma_start3A_75 : memref<1x200xi32, #tpu.memory_space<vmem>> -> memref<200xi32, #tpu.memory_space<vmem>>
      %dma_start3A_77 = arith.constant 128 : i32
      %dma_start3A_78 = tpu.memref_slice %dma_start3A_76[%dma_start3A_77] : memref<200xi32, #tpu.memory_space<vmem>> -> memref<72xi32, #tpu.memory_space<vmem>>
      %dma_start3A_79 = arith.constant 0 : i32
      %dma_start3A_80 = arith.constant 0 : i32
      %dma_start3A_81 = tpu.memref_slice %arg3[%dma_start3A_79, %dma_start3A_80] : memref<1015808x32xf32, #tpu.memory_space<hbm>> -> memref<1015808x32xf32, #tpu.memory_space<hbm>>
      tpu.enqueue_indirect_dma source(%dma_start3A_81 : memref<1015808x32xf32, #tpu.memory_space<hbm>>) target(%dma_start3A_73 : memref<72x32xf32, #tpu.memory_space<vmem>>) offsets(%dma_start3A_78 : memref<72xi32, #tpu.memory_space<vmem>>) semaphore(%arg9 : memref<!tpu.dma_semaphore, #tpu.memory_space<semaphore_mem>>)
      %dma_start3A_82 = arith.constant 2 : i32
      %dma_start3A_83 = arith.constant 2 : i32
      %dma_start3A_84 = arith.constant 0 : i32
      %dma_start3A_85 = arith.constant 0 : i32
      %dma_start3A_86 = tpu.memref_slice %arg6[%dma_start3A_83, %dma_start3A_84, %dma_start3A_85] : memref<4x200x32xf32, #tpu.memory_space<vmem>> -> memref<1x200x32xf32, #tpu.memory_space<vmem>>
      %dma_start3A_87 = tpu.memref_squeeze %dma_start3A_86 : memref<1x200x32xf32, #tpu.memory_space<vmem>> -> memref<200x32xf32, #tpu.memory_space<vmem>>
      %dma_start3A_88 = arith.constant 0 : i32
      %dma_start3A_89 = arith.constant 0 : i32
      %dma_start3A_90 = tpu.memref_slice %dma_start3A_87[%dma_start3A_88, %dma_start3A_89] : memref<200x32xf32, #tpu.memory_space<vmem>> -> memref<128x32xf32, #tpu.memory_space<vmem>>
      %dma_start3A_91 = arith.constant 0 : i32
      %dma_start3A_92 = tpu.memref_slice %arg5[%dma_start3A_82, %dma_start3A_91] : memref<32x200xi32, #tpu.memory_space<vmem>> -> memref<1x200xi32, #tpu.memory_space<vmem>>
      %dma_start3A_93 = tpu.memref_squeeze %dma_start3A_92 : memref<1x200xi32, #tpu.memory_space<vmem>> -> memref<200xi32, #tpu.memory_space<vmem>>
      %dma_start3A_94 = arith.constant 0 : i32
      %dma_start3A_95 = tpu.memref_slice %dma_start3A_93[%dma_start3A_94] : memref<200xi32, #tpu.memory_space<vmem>> -> memref<128xi32, #tpu.memory_space<vmem>>
      %dma_start3A_96 = arith.constant 0 : i32
      %dma_start3A_97 = arith.constant 0 : i32
      %dma_start3A_98 = tpu.memref_slice %arg3[%dma_start3A_96, %dma_start3A_97] : memref<1015808x32xf32, #tpu.memory_space<hbm>> -> memref<1015808x32xf32, #tpu.memory_space<hbm>>
      tpu.enqueue_indirect_dma source(%dma_start3A_98 : memref<1015808x32xf32, #tpu.memory_space<hbm>>) target(%dma_start3A_90 : memref<128x32xf32, #tpu.memory_space<vmem>>) offsets(%dma_start3A_95 : memref<128xi32, #tpu.memory_space<vmem>>) semaphore(%arg10 : memref<!tpu.dma_semaphore, #tpu.memory_space<semaphore_mem>>)
      %dma_start3A_99 = arith.constant 2 : i32
      %dma_start3A_100 = arith.constant 2 : i32
      %dma_start3A_101 = arith.constant 0 : i32
      %dma_start3A_102 = arith.constant 0 : i32
      %dma_start3A_103 = tpu.memref_slice %arg6[%dma_start3A_100, %dma_start3A_101, %dma_start3A_102] : memref<4x200x32xf32, #tpu.memory_space<vmem>> -> memref<1x200x32xf32, #tpu.memory_space<vmem>>
      %dma_start3A_104 = tpu.memref_squeeze %dma_start3A_103 : memref<1x200x32xf32, #tpu.memory_space<vmem>> -> memref<200x32xf32, #tpu.memory_space<vmem>>
      %dma_start3A_105 = arith.constant 128 : i32
      %dma_start3A_106 = arith.constant 0 : i32
      %dma_start3A_107 = tpu.memref_slice %dma_start3A_104[%dma_start3A_105, %dma_start3A_106] : memref<200x32xf32, #tpu.memory_space<vmem>> -> memref<72x32xf32, #tpu.memory_space<vmem>>
      %dma_start3A_108 = arith.constant 0 : i32
      %dma_start3A_109 = tpu.memref_slice %arg5[%dma_start3A_99, %dma_start3A_108] : memref<32x200xi32, #tpu.memory_space<vmem>> -> memref<1x200xi32, #tpu.memory_space<vmem>>
      %dma_start3A_110 = tpu.memref_squeeze %dma_start3A_109 : memref<1x200xi32, #tpu.memory_space<vmem>> -> memref<200xi32, #tpu.memory_space<vmem>>
      %dma_start3A_111 = arith.constant 128 : i32
      %dma_start3A_112 = tpu.memref_slice %dma_start3A_110[%dma_start3A_111] : memref<200xi32, #tpu.memory_space<vmem>> -> memref<72xi32, #tpu.memory_space<vmem>>
      %dma_start3A_113 = arith.constant 0 : i32
      %dma_start3A_114 = arith.constant 0 : i32
      %dma_start3A_115 = tpu.memref_slice %arg3[%dma_start3A_113, %dma_start3A_114] : memref<1015808x32xf32, #tpu.memory_space<hbm>> -> memref<1015808x32xf32, #tpu.memory_space<hbm>>
      tpu.enqueue_indirect_dma source(%dma_start3A_115 : memref<1015808x32xf32, #tpu.memory_space<hbm>>) target(%dma_start3A_107 : memref<72x32xf32, #tpu.memory_space<vmem>>) offsets(%dma_start3A_112 : memref<72xi32, #tpu.memory_space<vmem>>) semaphore(%arg10 : memref<!tpu.dma_semaphore, #tpu.memory_space<semaphore_mem>>)
      %dma_start3A_116 = arith.constant 3 : i32
      %dma_start3A_117 = arith.constant 3 : i32
      %dma_start3A_118 = arith.constant 0 : i32
      %dma_start3A_119 = arith.constant 0 : i32
      %dma_start3A_120 = tpu.memref_slice %arg6[%dma_start3A_117, %dma_start3A_118, %dma_start3A_119] : memref<4x200x32xf32, #tpu.memory_space<vmem>> -> memref<1x200x32xf32, #tpu.memory_space<vmem>>
      %dma_start3A_121 = tpu.memref_squeeze %dma_start3A_120 : memref<1x200x32xf32, #tpu.memory_space<vmem>> -> memref<200x32xf32, #tpu.memory_space<vmem>>
      %dma_start3A_122 = arith.constant 0 : i32
      %dma_start3A_123 = arith.constant 0 : i32
      %dma_start3A_124 = tpu.memref_slice %dma_start3A_121[%dma_start3A_122, %dma_start3A_123] : memref<200x32xf32, #tpu.memory_space<vmem>> -> memref<128x32xf32, #tpu.memory_space<vmem>>
      %dma_start3A_125 = arith.constant 0 : i32
      %dma_start3A_126 = tpu.memref_slice %arg5[%dma_start3A_116, %dma_start3A_125] : memref<32x200xi32, #tpu.memory_space<vmem>> -> memref<1x200xi32, #tpu.memory_space<vmem>>
      %dma_start3A_127 = tpu.memref_squeeze %dma_start3A_126 : memref<1x200xi32, #tpu.memory_space<vmem>> -> memref<200xi32, #tpu.memory_space<vmem>>
      %dma_start3A_128 = arith.constant 0 : i32
      %dma_start3A_129 = tpu.memref_slice %dma_start3A_127[%dma_start3A_128] : memref<200xi32, #tpu.memory_space<vmem>> -> memref<128xi32, #tpu.memory_space<vmem>>
      %dma_start3A_130 = arith.constant 0 : i32
      %dma_start3A_131 = arith.constant 0 : i32
      %dma_start3A_132 = tpu.memref_slice %arg3[%dma_start3A_130, %dma_start3A_131] : memref<1015808x32xf32, #tpu.memory_space<hbm>> -> memref<1015808x32xf32, #tpu.memory_space<hbm>>
      tpu.enqueue_indirect_dma source(%dma_start3A_132 : memref<1015808x32xf32, #tpu.memory_space<hbm>>) target(%dma_start3A_124 : memref<128x32xf32, #tpu.memory_space<vmem>>) offsets(%dma_start3A_129 : memref<128xi32, #tpu.memory_space<vmem>>) semaphore(%arg11 : memref<!tpu.dma_semaphore, #tpu.memory_space<semaphore_mem>>)
      %dma_start3A_133 = arith.constant 3 : i32
      %dma_start3A_134 = arith.constant 3 : i32
      %dma_start3A_135 = arith.constant 0 : i32
      %dma_start3A_136 = arith.constant 0 : i32
      %dma_start3A_137 = tpu.memref_slice %arg6[%dma_start3A_134, %dma_start3A_135, %dma_start3A_136] : memref<4x200x32xf32, #tpu.memory_space<vmem>> -> memref<1x200x32xf32, #tpu.memory_space<vmem>>
      %dma_start3A_138 = tpu.memref_squeeze %dma_start3A_137 : memref<1x200x32xf32, #tpu.memory_space<vmem>> -> memref<200x32xf32, #tpu.memory_space<vmem>>
      %dma_start3A_139 = arith.constant 128 : i32
      %dma_start3A_140 = arith.constant 0 : i32
      %dma_start3A_141 = tpu.memref_slice %dma_start3A_138[%dma_start3A_139, %dma_start3A_140] : memref<200x32xf32, #tpu.memory_space<vmem>> -> memref<72x32xf32, #tpu.memory_space<vmem>>
      %dma_start3A_142 = arith.constant 0 : i32
      %dma_start3A_143 = tpu.memref_slice %arg5[%dma_start3A_133, %dma_start3A_142] : memref<32x200xi32, #tpu.memory_space<vmem>> -> memref<1x200xi32, #tpu.memory_space<vmem>>
      %dma_start3A_144 = tpu.memref_squeeze %dma_start3A_143 : memref<1x200xi32, #tpu.memory_space<vmem>> -> memref<200xi32, #tpu.memory_space<vmem>>
      %dma_start3A_145 = arith.constant 128 : i32
      %dma_start3A_146 = tpu.memref_slice %dma_start3A_144[%dma_start3A_145] : memref<200xi32, #tpu.memory_space<vmem>> -> memref<72xi32, #tpu.memory_space<vmem>>
      %dma_start3A_147 = arith.constant 0 : i32
      %dma_start3A_148 = arith.constant 0 : i32
      %dma_start3A_149 = tpu.memref_slice %arg3[%dma_start3A_147, %dma_start3A_148] : memref<1015808x32xf32, #tpu.memory_space<hbm>> -> memref<1015808x32xf32, #tpu.memory_space<hbm>>
      tpu.enqueue_indirect_dma source(%dma_start3A_149 : memref<1015808x32xf32, #tpu.memory_space<hbm>>) target(%dma_start3A_141 : memref<72x32xf32, #tpu.memory_space<vmem>>) offsets(%dma_start3A_146 : memref<72xi32, #tpu.memory_space<vmem>>) semaphore(%arg11 : memref<!tpu.dma_semaphore, #tpu.memory_space<semaphore_mem>>)
      %scan3A_150 = arith.constant 0 : i32
      %scan3A_151 = arith.constant 0 : i32
      %scan3A_152 = arith.constant 8 : i32
      %scan3A_153 = arith.addi %scan3A_151, %scan3A_152 : i32
      %scan3A_154 = arith.constant 1 : i32
      %scan3A_155 = scf.for %scan3A_158 = %scan3A_151 to %scan3A_153 step %scan3A_154 iter_args(%scan3A_159 = %scan3A_150) -> (i32)  : i32 {
        %mul3A_160 = arith.constant 4 : i32
        %mul3A_161 = arith.muli %scan3A_158, %mul3A_160 : i32
        %add3A_162 = arith.constant 0 : i32
        %add3A_163 = arith.addi %mul3A_161, %add3A_162 : i32
        %dma_wait3A = arith.constant 0 : i32
        %dma_wait3A_164 = arith.constant 0 : i32
        %dma_wait3A_165 = arith.constant 0 : i32
        %dma_wait3A_166 = tpu.memref_slice %arg6[%dma_wait3A, %dma_wait3A_164, %dma_wait3A_165] : memref<4x200x32xf32, #tpu.memory_space<vmem>> -> memref<1x200x32xf32, #tpu.memory_space<vmem>>
        %dma_wait3A_167 = tpu.memref_squeeze %dma_wait3A_166 : memref<1x200x32xf32, #tpu.memory_space<vmem>> -> memref<200x32xf32, #tpu.memory_space<vmem>>
        %dma_wait3A_168 = arith.constant 0 : i32
        %dma_wait3A_169 = arith.constant 0 : i32
        %dma_wait3A_170 = tpu.memref_slice %dma_wait3A_167[%dma_wait3A_168, %dma_wait3A_169] : memref<200x32xf32, #tpu.memory_space<vmem>> -> memref<128x32xf32, #tpu.memory_space<vmem>>
        %dma_wait3A_171 = arith.constant 0 : i32
        %dma_wait3A_172 = tpu.memref_slice %arg5[%add3A_163, %dma_wait3A_171] : memref<32x200xi32, #tpu.memory_space<vmem>> -> memref<1x200xi32, #tpu.memory_space<vmem>>
        %dma_wait3A_173 = tpu.memref_squeeze %dma_wait3A_172 : memref<1x200xi32, #tpu.memory_space<vmem>> -> memref<200xi32, #tpu.memory_space<vmem>>
        %dma_wait3A_174 = arith.constant 0 : i32
        %dma_wait3A_175 = tpu.memref_slice %dma_wait3A_173[%dma_wait3A_174] : memref<200xi32, #tpu.memory_space<vmem>> -> memref<128xi32, #tpu.memory_space<vmem>>
        %dma_wait3A_176 = arith.constant 0 : i32
        %dma_wait3A_177 = arith.constant 0 : i32
        %dma_wait3A_178 = tpu.memref_slice %arg3[%dma_wait3A_176, %dma_wait3A_177] : memref<1015808x32xf32, #tpu.memory_space<hbm>> -> memref<1015808x32xf32, #tpu.memory_space<hbm>>
        tpu.wait_indirect_dma semaphore(%arg8 : memref<!tpu.dma_semaphore, #tpu.memory_space<semaphore_mem>>) src(%dma_wait3A_178 : memref<1015808x32xf32, #tpu.memory_space<hbm>>) dst(%dma_wait3A_170 : memref<128x32xf32, #tpu.memory_space<vmem>>)
        %dma_wait3A_179 = arith.constant 0 : i32
        %dma_wait3A_180 = arith.constant 0 : i32
        %dma_wait3A_181 = arith.constant 0 : i32
        %dma_wait3A_182 = tpu.memref_slice %arg6[%dma_wait3A_179, %dma_wait3A_180, %dma_wait3A_181] : memref<4x200x32xf32, #tpu.memory_space<vmem>> -> memref<1x200x32xf32, #tpu.memory_space<vmem>>
        %dma_wait3A_183 = tpu.memref_squeeze %dma_wait3A_182 : memref<1x200x32xf32, #tpu.memory_space<vmem>> -> memref<200x32xf32, #tpu.memory_space<vmem>>
        %dma_wait3A_184 = arith.constant 128 : i32
        %dma_wait3A_185 = arith.constant 0 : i32
        %dma_wait3A_186 = tpu.memref_slice %dma_wait3A_183[%dma_wait3A_184, %dma_wait3A_185] : memref<200x32xf32, #tpu.memory_space<vmem>> -> memref<72x32xf32, #tpu.memory_space<vmem>>
        %dma_wait3A_187 = arith.constant 0 : i32
        %dma_wait3A_188 = tpu.memref_slice %arg5[%add3A_163, %dma_wait3A_187] : memref<32x200xi32, #tpu.memory_space<vmem>> -> memref<1x200xi32, #tpu.memory_space<vmem>>
        %dma_wait3A_189 = tpu.memref_squeeze %dma_wait3A_188 : memref<1x200xi32, #tpu.memory_space<vmem>> -> memref<200xi32, #tpu.memory_space<vmem>>
        %dma_wait3A_190 = arith.constant 128 : i32
        %dma_wait3A_191 = tpu.memref_slice %dma_wait3A_189[%dma_wait3A_190] : memref<200xi32, #tpu.memory_space<vmem>> -> memref<72xi32, #tpu.memory_space<vmem>>
        %dma_wait3A_192 = arith.constant 0 : i32
        %dma_wait3A_193 = arith.constant 0 : i32
        %dma_wait3A_194 = tpu.memref_slice %arg3[%dma_wait3A_192, %dma_wait3A_193] : memref<1015808x32xf32, #tpu.memory_space<hbm>> -> memref<1015808x32xf32, #tpu.memory_space<hbm>>
        tpu.wait_indirect_dma semaphore(%arg8 : memref<!tpu.dma_semaphore, #tpu.memory_space<semaphore_mem>>) src(%dma_wait3A_194 : memref<1015808x32xf32, #tpu.memory_space<hbm>>) dst(%dma_wait3A_186 : memref<72x32xf32, #tpu.memory_space<vmem>>)
        %lt3A = arith.constant 7 : i32
        %lt3A_195 = arith.cmpi slt, %scan3A_158, %lt3A : i32
        %convert_element_type3A = arith.extui %lt3A_195 : i1 to i32
        %cond3A = arith.constant 0 : i32
        %cond3A_196 = arith.cmpi ne, %convert_element_type3A, %cond3A : i32
        scf.if %cond3A_196 {
          %add3A_487 = arith.constant 4 : i32
          %add3A_488 = arith.addi %add3A_163, %add3A_487 : i32
          %dma_start3A_489 = arith.constant 0 : i32
          %dma_start3A_490 = arith.constant 0 : i32
          %dma_start3A_491 = arith.constant 0 : i32
          %dma_start3A_492 = tpu.memref_slice %arg6[%dma_start3A_489, %dma_start3A_490, %dma_start3A_491] : memref<4x200x32xf32, #tpu.memory_space<vmem>> -> memref<1x200x32xf32, #tpu.memory_space<vmem>>
          %dma_start3A_493 = tpu.memref_squeeze %dma_start3A_492 : memref<1x200x32xf32, #tpu.memory_space<vmem>> -> memref<200x32xf32, #tpu.memory_space<vmem>>
          %dma_start3A_494 = arith.constant 0 : i32
          %dma_start3A_495 = arith.constant 0 : i32
          %dma_start3A_496 = tpu.memref_slice %dma_start3A_493[%dma_start3A_494, %dma_start3A_495] : memref<200x32xf32, #tpu.memory_space<vmem>> -> memref<128x32xf32, #tpu.memory_space<vmem>>
          %dma_start3A_497 = arith.constant 0 : i32
          %dma_start3A_498 = tpu.memref_slice %arg5[%add3A_488, %dma_start3A_497] : memref<32x200xi32, #tpu.memory_space<vmem>> -> memref<1x200xi32, #tpu.memory_space<vmem>>
          %dma_start3A_499 = tpu.memref_squeeze %dma_start3A_498 : memref<1x200xi32, #tpu.memory_space<vmem>> -> memref<200xi32, #tpu.memory_space<vmem>>
          %dma_start3A_500 = arith.constant 0 : i32
          %dma_start3A_501 = tpu.memref_slice %dma_start3A_499[%dma_start3A_500] : memref<200xi32, #tpu.memory_space<vmem>> -> memref<128xi32, #tpu.memory_space<vmem>>
          %dma_start3A_502 = arith.constant 0 : i32
          %dma_start3A_503 = arith.constant 0 : i32
          %dma_start3A_504 = tpu.memref_slice %arg3[%dma_start3A_502, %dma_start3A_503] : memref<1015808x32xf32, #tpu.memory_space<hbm>> -> memref<1015808x32xf32, #tpu.memory_space<hbm>>
          tpu.enqueue_indirect_dma source(%dma_start3A_504 : memref<1015808x32xf32, #tpu.memory_space<hbm>>) target(%dma_start3A_496 : memref<128x32xf32, #tpu.memory_space<vmem>>) offsets(%dma_start3A_501 : memref<128xi32, #tpu.memory_space<vmem>>) semaphore(%arg8 : memref<!tpu.dma_semaphore, #tpu.memory_space<semaphore_mem>>)
          %dma_start3A_505 = arith.constant 0 : i32
          %dma_start3A_506 = arith.constant 0 : i32
          %dma_start3A_507 = arith.constant 0 : i32
          %dma_start3A_508 = tpu.memref_slice %arg6[%dma_start3A_505, %dma_start3A_506, %dma_start3A_507] : memref<4x200x32xf32, #tpu.memory_space<vmem>> -> memref<1x200x32xf32, #tpu.memory_space<vmem>>
          %dma_start3A_509 = tpu.memref_squeeze %dma_start3A_508 : memref<1x200x32xf32, #tpu.memory_space<vmem>> -> memref<200x32xf32, #tpu.memory_space<vmem>>
          %dma_start3A_510 = arith.constant 128 : i32
          %dma_start3A_511 = arith.constant 0 : i32
          %dma_start3A_512 = tpu.memref_slice %dma_start3A_509[%dma_start3A_510, %dma_start3A_511] : memref<200x32xf32, #tpu.memory_space<vmem>> -> memref<72x32xf32, #tpu.memory_space<vmem>>
          %dma_start3A_513 = arith.constant 0 : i32
          %dma_start3A_514 = tpu.memref_slice %arg5[%add3A_488, %dma_start3A_513] : memref<32x200xi32, #tpu.memory_space<vmem>> -> memref<1x200xi32, #tpu.memory_space<vmem>>
          %dma_start3A_515 = tpu.memref_squeeze %dma_start3A_514 : memref<1x200xi32, #tpu.memory_space<vmem>> -> memref<200xi32, #tpu.memory_space<vmem>>
          %dma_start3A_516 = arith.constant 128 : i32
          %dma_start3A_517 = tpu.memref_slice %dma_start3A_515[%dma_start3A_516] : memref<200xi32, #tpu.memory_space<vmem>> -> memref<72xi32, #tpu.memory_space<vmem>>
          %dma_start3A_518 = arith.constant 0 : i32
          %dma_start3A_519 = arith.constant 0 : i32
          %dma_start3A_520 = tpu.memref_slice %arg3[%dma_start3A_518, %dma_start3A_519] : memref<1015808x32xf32, #tpu.memory_space<hbm>> -> memref<1015808x32xf32, #tpu.memory_space<hbm>>
          tpu.enqueue_indirect_dma source(%dma_start3A_520 : memref<1015808x32xf32, #tpu.memory_space<hbm>>) target(%dma_start3A_512 : memref<72x32xf32, #tpu.memory_space<vmem>>) offsets(%dma_start3A_517 : memref<72xi32, #tpu.memory_space<vmem>>) semaphore(%arg8 : memref<!tpu.dma_semaphore, #tpu.memory_space<semaphore_mem>>)
        } else {
        }
        %broadcast_in_dim3A = arith.constant 0.000000e+00 : f32
        %broadcast_in_dim3A_197 = vector.broadcast %broadcast_in_dim3A : f32 to vector<16xf32>
        %broadcast_in_dim3A_198 = arith.constant 0.000000e+00 : f32
        %broadcast_in_dim3A_199 = vector.broadcast %broadcast_in_dim3A_198 : f32 to vector<16xf32>
        %broadcast_in_dim3A_200 = arith.constant 0.000000e+00 : f32
        %broadcast_in_dim3A_201 = vector.broadcast %broadcast_in_dim3A_200 : f32 to vector<16xf32>
        %broadcast_in_dim3A_202 = arith.constant 0.000000e+00 : f32
        %broadcast_in_dim3A_203 = vector.broadcast %broadcast_in_dim3A_202 : f32 to vector<16xf32>
        %broadcast_in_dim3A_204 = arith.constant 0.000000e+00 : f32
        %broadcast_in_dim3A_205 = vector.broadcast %broadcast_in_dim3A_204 : f32 to vector<16xf32>
        %broadcast_in_dim3A_206 = arith.constant 0.000000e+00 : f32
        %broadcast_in_dim3A_207 = vector.broadcast %broadcast_in_dim3A_206 : f32 to vector<16xf32>
        %broadcast_in_dim3A_208 = arith.constant 0.000000e+00 : f32
        %broadcast_in_dim3A_209 = vector.broadcast %broadcast_in_dim3A_208 : f32 to vector<16xf32>
        %broadcast_in_dim3A_210 = arith.constant 0.000000e+00 : f32
        %broadcast_in_dim3A_211 = vector.broadcast %broadcast_in_dim3A_210 : f32 to vector<16xf32>
        %scan3A_212 = arith.constant 0 : i32
        %scan3A_213 = arith.constant 25 : i32
        %scan3A_214 = arith.addi %scan3A_212, %scan3A_213 : i32
        %scan3A_215 = arith.constant 1 : i32
        %scan3A_216:8 = scf.for %scan3A_487 = %scan3A_212 to %scan3A_214 step %scan3A_215 iter_args(%scan3A_488 = %broadcast_in_dim3A_197, %scan3A_489 = %broadcast_in_dim3A_199, %scan3A_490 = %broadcast_in_dim3A_201, %scan3A_491 = %broadcast_in_dim3A_203, %scan3A_492 = %broadcast_in_dim3A_205, %scan3A_493 = %broadcast_in_dim3A_207, %scan3A_494 = %broadcast_in_dim3A_209, %scan3A_495 = %broadcast_in_dim3A_211) -> (vector<16xf32>, vector<16xf32>, vector<16xf32>, vector<16xf32>, vector<16xf32>, vector<16xf32>, vector<16xf32>, vector<16xf32>)  : i32 {
          %mul3A_496 = arith.constant 8 : i32
          %mul3A_497 = arith.muli %scan3A_487, %mul3A_496 : i32
          %add3A_498 = arith.constant 0 : i32
          %add3A_499 = arith.addi %mul3A_497, %add3A_498 : i32
          %get3A = arith.constant 0 : i32
          %get3A_500 = arith.index_cast %get3A : i32 to index
          %get3A_501 = arith.index_cast %add3A_499 : i32 to index
          %get3A_502 = arith.constant 0 : index
          %get3A_503 = tpu.vector_load %arg6[%get3A_500, %get3A_501, %get3A_502] {strides = array<i32>} : memref<4x200x32xf32, #tpu.memory_space<vmem>>, vector<1x1x16xf32>,
          %get3A_504 = vector.shape_cast %get3A_503 : vector<1x1x16xf32> to vector<16xf32>
          %add3A_505 = arith.addf %scan3A_488, %get3A_504 : vector<16xf32>
          %get3A_506 = arith.constant 0 : i32
          %get3A_507 = arith.index_cast %get3A_506 : i32 to index
          %get3A_508 = arith.index_cast %add3A_499 : i32 to index
          %get3A_509 = arith.constant 16 : index
          %get3A_510 = tpu.vector_load %arg6[%get3A_507, %get3A_508, %get3A_509] {strides = array<i32>} : memref<4x200x32xf32, #tpu.memory_space<vmem>>, vector<1x1x16xf32>,
          %get3A_511 = vector.shape_cast %get3A_510 : vector<1x1x16xf32> to vector<16xf32>
          %add3A_512 = arith.addf %scan3A_489, %get3A_511 : vector<16xf32>
          %add3A_513 = arith.constant 1 : i32
          %add3A_514 = arith.addi %mul3A_497, %add3A_513 : i32
          %get3A_515 = arith.constant 0 : i32
          %get3A_516 = arith.index_cast %get3A_515 : i32 to index
          %get3A_517 = arith.index_cast %add3A_514 : i32 to index
          %get3A_518 = arith.constant 0 : index
          %get3A_519 = tpu.vector_load %arg6[%get3A_516, %get3A_517, %get3A_518] {strides = array<i32>} : memref<4x200x32xf32, #tpu.memory_space<vmem>>, vector<1x1x16xf32>,
          %get3A_520 = vector.shape_cast %get3A_519 : vector<1x1x16xf32> to vector<16xf32>
          %add3A_521 = arith.addf %scan3A_490, %get3A_520 : vector<16xf32>
          %get3A_522 = arith.constant 0 : i32
          %get3A_523 = arith.index_cast %get3A_522 : i32 to index
          %get3A_524 = arith.index_cast %add3A_514 : i32 to index
          %get3A_525 = arith.constant 16 : index
          %get3A_526 = tpu.vector_load %arg6[%get3A_523, %get3A_524, %get3A_525] {strides = array<i32>} : memref<4x200x32xf32, #tpu.memory_space<vmem>>, vector<1x1x16xf32>,
          %get3A_527 = vector.shape_cast %get3A_526 : vector<1x1x16xf32> to vector<16xf32>
          %add3A_528 = arith.addf %scan3A_491, %get3A_527 : vector<16xf32>
          %add3A_529 = arith.constant 2 : i32
          %add3A_530 = arith.addi %mul3A_497, %add3A_529 : i32
          %get3A_531 = arith.constant 0 : i32
          %get3A_532 = arith.index_cast %get3A_531 : i32 to index
          %get3A_533 = arith.index_cast %add3A_530 : i32 to index
          %get3A_534 = arith.constant 0 : index
          %get3A_535 = tpu.vector_load %arg6[%get3A_532, %get3A_533, %get3A_534] {strides = array<i32>} : memref<4x200x32xf32, #tpu.memory_space<vmem>>, vector<1x1x16xf32>,
          %get3A_536 = vector.shape_cast %get3A_535 : vector<1x1x16xf32> to vector<16xf32>
          %add3A_537 = arith.addf %scan3A_492, %get3A_536 : vector<16xf32>
          %get3A_538 = arith.constant 0 : i32
          %get3A_539 = arith.index_cast %get3A_538 : i32 to index
          %get3A_540 = arith.index_cast %add3A_530 : i32 to index
          %get3A_541 = arith.constant 16 : index
          %get3A_542 = tpu.vector_load %arg6[%get3A_539, %get3A_540, %get3A_541] {strides = array<i32>} : memref<4x200x32xf32, #tpu.memory_space<vmem>>, vector<1x1x16xf32>,
          %get3A_543 = vector.shape_cast %get3A_542 : vector<1x1x16xf32> to vector<16xf32>
          %add3A_544 = arith.addf %scan3A_493, %get3A_543 : vector<16xf32>
          %add3A_545 = arith.constant 3 : i32
          %add3A_546 = arith.addi %mul3A_497, %add3A_545 : i32
          %get3A_547 = arith.constant 0 : i32
          %get3A_548 = arith.index_cast %get3A_547 : i32 to index
          %get3A_549 = arith.index_cast %add3A_546 : i32 to index
          %get3A_550 = arith.constant 0 : index
          %get3A_551 = tpu.vector_load %arg6[%get3A_548, %get3A_549, %get3A_550] {strides = array<i32>} : memref<4x200x32xf32, #tpu.memory_space<vmem>>, vector<1x1x16xf32>,
          %get3A_552 = vector.shape_cast %get3A_551 : vector<1x1x16xf32> to vector<16xf32>
          %add3A_553 = arith.addf %scan3A_494, %get3A_552 : vector<16xf32>
          %get3A_554 = arith.constant 0 : i32
          %get3A_555 = arith.index_cast %get3A_554 : i32 to index
          %get3A_556 = arith.index_cast %add3A_546 : i32 to index
          %get3A_557 = arith.constant 16 : index
          %get3A_558 = tpu.vector_load %arg6[%get3A_555, %get3A_556, %get3A_557] {strides = array<i32>} : memref<4x200x32xf32, #tpu.memory_space<vmem>>, vector<1x1x16xf32>,
          %get3A_559 = vector.shape_cast %get3A_558 : vector<1x1x16xf32> to vector<16xf32>
          %add3A_560 = arith.addf %scan3A_495, %get3A_559 : vector<16xf32>
          %add3A_561 = arith.constant 4 : i32
          %add3A_562 = arith.addi %mul3A_497, %add3A_561 : i32
          %get3A_563 = arith.constant 0 : i32
          %get3A_564 = arith.index_cast %get3A_563 : i32 to index
          %get3A_565 = arith.index_cast %add3A_562 : i32 to index
          %get3A_566 = arith.constant 0 : index
          %get3A_567 = tpu.vector_load %arg6[%get3A_564, %get3A_565, %get3A_566] {strides = array<i32>} : memref<4x200x32xf32, #tpu.memory_space<vmem>>, vector<1x1x16xf32>,
          %get3A_568 = vector.shape_cast %get3A_567 : vector<1x1x16xf32> to vector<16xf32>
          %add3A_569 = arith.addf %add3A_505, %get3A_568 : vector<16xf32>
          %get3A_570 = arith.constant 0 : i32
          %get3A_571 = arith.index_cast %get3A_570 : i32 to index
          %get3A_572 = arith.index_cast %add3A_562 : i32 to index
          %get3A_573 = arith.constant 16 : index
          %get3A_574 = tpu.vector_load %arg6[%get3A_571, %get3A_572, %get3A_573] {strides = array<i32>} : memref<4x200x32xf32, #tpu.memory_space<vmem>>, vector<1x1x16xf32>,
          %get3A_575 = vector.shape_cast %get3A_574 : vector<1x1x16xf32> to vector<16xf32>
          %add3A_576 = arith.addf %add3A_512, %get3A_575 : vector<16xf32>
          %add3A_577 = arith.constant 5 : i32
          %add3A_578 = arith.addi %mul3A_497, %add3A_577 : i32
          %get3A_579 = arith.constant 0 : i32
          %get3A_580 = arith.index_cast %get3A_579 : i32 to index
          %get3A_581 = arith.index_cast %add3A_578 : i32 to index
          %get3A_582 = arith.constant 0 : index
          %get3A_583 = tpu.vector_load %arg6[%get3A_580, %get3A_581, %get3A_582] {strides = array<i32>} : memref<4x200x32xf32, #tpu.memory_space<vmem>>, vector<1x1x16xf32>,
          %get3A_584 = vector.shape_cast %get3A_583 : vector<1x1x16xf32> to vector<16xf32>
          %add3A_585 = arith.addf %add3A_521, %get3A_584 : vector<16xf32>
          %get3A_586 = arith.constant 0 : i32
          %get3A_587 = arith.index_cast %get3A_586 : i32 to index
          %get3A_588 = arith.index_cast %add3A_578 : i32 to index
          %get3A_589 = arith.constant 16 : index
          %get3A_590 = tpu.vector_load %arg6[%get3A_587, %get3A_588, %get3A_589] {strides = array<i32>} : memref<4x200x32xf32, #tpu.memory_space<vmem>>, vector<1x1x16xf32>,
          %get3A_591 = vector.shape_cast %get3A_590 : vector<1x1x16xf32> to vector<16xf32>
          %add3A_592 = arith.addf %add3A_528, %get3A_591 : vector<16xf32>
          %add3A_593 = arith.constant 6 : i32
          %add3A_594 = arith.addi %mul3A_497, %add3A_593 : i32
          %get3A_595 = arith.constant 0 : i32
          %get3A_596 = arith.index_cast %get3A_595 : i32 to index
          %get3A_597 = arith.index_cast %add3A_594 : i32 to index
          %get3A_598 = arith.constant 0 : index
          %get3A_599 = tpu.vector_load %arg6[%get3A_596, %get3A_597, %get3A_598] {strides = array<i32>} : memref<4x200x32xf32, #tpu.memory_space<vmem>>, vector<1x1x16xf32>,
          %get3A_600 = vector.shape_cast %get3A_599 : vector<1x1x16xf32> to vector<16xf32>
          %add3A_601 = arith.addf %add3A_537, %get3A_600 : vector<16xf32>
          %get3A_602 = arith.constant 0 : i32
          %get3A_603 = arith.index_cast %get3A_602 : i32 to index
          %get3A_604 = arith.index_cast %add3A_594 : i32 to index
          %get3A_605 = arith.constant 16 : index
          %get3A_606 = tpu.vector_load %arg6[%get3A_603, %get3A_604, %get3A_605] {strides = array<i32>} : memref<4x200x32xf32, #tpu.memory_space<vmem>>, vector<1x1x16xf32>,
          %get3A_607 = vector.shape_cast %get3A_606 : vector<1x1x16xf32> to vector<16xf32>
          %add3A_608 = arith.addf %add3A_544, %get3A_607 : vector<16xf32>
          %add3A_609 = arith.constant 7 : i32
          %add3A_610 = arith.addi %mul3A_497, %add3A_609 : i32
          %get3A_611 = arith.constant 0 : i32
          %get3A_612 = arith.index_cast %get3A_611 : i32 to index
          %get3A_613 = arith.index_cast %add3A_610 : i32 to index
          %get3A_614 = arith.constant 0 : index
          %get3A_615 = tpu.vector_load %arg6[%get3A_612, %get3A_613, %get3A_614] {strides = array<i32>} : memref<4x200x32xf32, #tpu.memory_space<vmem>>, vector<1x1x16xf32>,
          %get3A_616 = vector.shape_cast %get3A_615 : vector<1x1x16xf32> to vector<16xf32>
          %add3A_617 = arith.addf %add3A_553, %get3A_616 : vector<16xf32>
          %get3A_618 = arith.constant 0 : i32
          %get3A_619 = arith.index_cast %get3A_618 : i32 to index
          %get3A_620 = arith.index_cast %add3A_610 : i32 to index
          %get3A_621 = arith.constant 16 : index
          %get3A_622 = tpu.vector_load %arg6[%get3A_619, %get3A_620, %get3A_621] {strides = array<i32>} : memref<4x200x32xf32, #tpu.memory_space<vmem>>, vector<1x1x16xf32>,
          %get3A_623 = vector.shape_cast %get3A_622 : vector<1x1x16xf32> to vector<16xf32>
          %add3A_624 = arith.addf %add3A_560, %get3A_623 : vector<16xf32>
          scf.yield %add3A_569, %add3A_576, %add3A_585, %add3A_592, %add3A_601, %add3A_608, %add3A_617, %add3A_624 : vector<16xf32>, vector<16xf32>, vector<16xf32>, vector<16xf32>, vector<16xf32>, vector<16xf32>, vector<16xf32>, vector<16xf32>
        }
        %scan3A_217 = arith.constant 25 : i32
        %add3A_218 = arith.addf %scan3A_216#0, %scan3A_216#2 : vector<16xf32>
        %add3A_219 = arith.addf %scan3A_216#4, %scan3A_216#6 : vector<16xf32>
        %add3A_220 = arith.addf %add3A_218, %add3A_219 : vector<16xf32>
        %add3A_221 = arith.addf %scan3A_216#1, %scan3A_216#3 : vector<16xf32>
        %add3A_222 = arith.addf %scan3A_216#5, %scan3A_216#7 : vector<16xf32>
        %add3A_223 = arith.addf %add3A_221, %add3A_222 : vector<16xf32>
        %mul3A_224 = vector.broadcast %scan3A : f32 to vector<16xf32>
        %mul3A_225 = arith.mulf %add3A_220, %mul3A_224 : vector<16xf32>
        %mul3A_226 = vector.broadcast %scan3A : f32 to vector<16xf32>
        %mul3A_227 = arith.mulf %add3A_223, %mul3A_226 : vector<16xf32>
        %swap3A = arith.index_cast %add3A_163 : i32 to index
        %swap3A_228 = arith.constant 0 : index
        %swap3A_229 = tpu.vector_load %arg7[%swap3A, %swap3A_228] {strides = array<i32>} : memref<32x32xf32, #tpu.memory_space<vmem>>, vector<1x16xf32>,
        %swap3A_230 = vector.shape_cast %swap3A_229 : vector<1x16xf32> to vector<16xf32>
        %swap3A_231 = vector.shape_cast %mul3A_225 : vector<16xf32> to vector<1x16xf32>
        tpu.vector_store %arg7[%swap3A, %swap3A_228], %swap3A_231 {strides = array<i32>} : memref<32x32xf32, #tpu.memory_space<vmem>>, vector<1x16xf32>,
        %swap3A_232 = arith.index_cast %add3A_163 : i32 to index
        %swap3A_233 = arith.constant 16 : index
        %swap3A_234 = tpu.vector_load %arg7[%swap3A_232, %swap3A_233] {strides = array<i32>} : memref<32x32xf32, #tpu.memory_space<vmem>>, vector<1x16xf32>,
        %swap3A_235 = vector.shape_cast %swap3A_234 : vector<1x16xf32> to vector<16xf32>
        %swap3A_236 = vector.shape_cast %mul3A_227 : vector<16xf32> to vector<1x16xf32>
        tpu.vector_store %arg7[%swap3A_232, %swap3A_233], %swap3A_236 {strides = array<i32>} : memref<32x32xf32, #tpu.memory_space<vmem>>, vector<1x16xf32>,
        %mul3A_237 = arith.constant 4 : i32
        %mul3A_238 = arith.muli %scan3A_158, %mul3A_237 : i32
        %add3A_239 = arith.constant 1 : i32
        %add3A_240 = arith.addi %mul3A_238, %add3A_239 : i32
        %dma_wait3A_241 = arith.constant 1 : i32
        %dma_wait3A_242 = arith.constant 0 : i32
        %dma_wait3A_243 = arith.constant 0 : i32
        %dma_wait3A_244 = tpu.memref_slice %arg6[%dma_wait3A_241, %dma_wait3A_242, %dma_wait3A_243] : memref<4x200x32xf32, #tpu.memory_space<vmem>> -> memref<1x200x32xf32, #tpu.memory_space<vmem>>
        %dma_wait3A_245 = tpu.memref_squeeze %dma_wait3A_244 : memref<1x200x32xf32, #tpu.memory_space<vmem>> -> memref<200x32xf32, #tpu.memory_space<vmem>>
        %dma_wait3A_246 = arith.constant 0 : i32
        %dma_wait3A_247 = arith.constant 0 : i32
        %dma_wait3A_248 = tpu.memref_slice %dma_wait3A_245[%dma_wait3A_246, %dma_wait3A_247] : memref<200x32xf32, #tpu.memory_space<vmem>> -> memref<128x32xf32, #tpu.memory_space<vmem>>
        %dma_wait3A_249 = arith.constant 0 : i32
        %dma_wait3A_250 = tpu.memref_slice %arg5[%add3A_240, %dma_wait3A_249] : memref<32x200xi32, #tpu.memory_space<vmem>> -> memref<1x200xi32, #tpu.memory_space<vmem>>
        %dma_wait3A_251 = tpu.memref_squeeze %dma_wait3A_250 : memref<1x200xi32, #tpu.memory_space<vmem>> -> memref<200xi32, #tpu.memory_space<vmem>>
        %dma_wait3A_252 = arith.constant 0 : i32
        %dma_wait3A_253 = tpu.memref_slice %dma_wait3A_251[%dma_wait3A_252] : memref<200xi32, #tpu.memory_space<vmem>> -> memref<128xi32, #tpu.memory_space<vmem>>
        %dma_wait3A_254 = arith.constant 0 : i32
        %dma_wait3A_255 = arith.constant 0 : i32
        %dma_wait3A_256 = tpu.memref_slice %arg3[%dma_wait3A_254, %dma_wait3A_255] : memref<1015808x32xf32, #tpu.memory_space<hbm>> -> memref<1015808x32xf32, #tpu.memory_space<hbm>>
        tpu.wait_indirect_dma semaphore(%arg9 : memref<!tpu.dma_semaphore, #tpu.memory_space<semaphore_mem>>) src(%dma_wait3A_256 : memref<1015808x32xf32, #tpu.memory_space<hbm>>) dst(%dma_wait3A_248 : memref<128x32xf32, #tpu.memory_space<vmem>>)
        %dma_wait3A_257 = arith.constant 1 : i32
        %dma_wait3A_258 = arith.constant 0 : i32
        %dma_wait3A_259 = arith.constant 0 : i32
        %dma_wait3A_260 = tpu.memref_slice %arg6[%dma_wait3A_257, %dma_wait3A_258, %dma_wait3A_259] : memref<4x200x32xf32, #tpu.memory_space<vmem>> -> memref<1x200x32xf32, #tpu.memory_space<vmem>>
        %dma_wait3A_261 = tpu.memref_squeeze %dma_wait3A_260 : memref<1x200x32xf32, #tpu.memory_space<vmem>> -> memref<200x32xf32, #tpu.memory_space<vmem>>
        %dma_wait3A_262 = arith.constant 128 : i32
        %dma_wait3A_263 = arith.constant 0 : i32
        %dma_wait3A_264 = tpu.memref_slice %dma_wait3A_261[%dma_wait3A_262, %dma_wait3A_263] : memref<200x32xf32, #tpu.memory_space<vmem>> -> memref<72x32xf32, #tpu.memory_space<vmem>>
        %dma_wait3A_265 = arith.constant 0 : i32
        %dma_wait3A_266 = tpu.memref_slice %arg5[%add3A_240, %dma_wait3A_265] : memref<32x200xi32, #tpu.memory_space<vmem>> -> memref<1x200xi32, #tpu.memory_space<vmem>>
        %dma_wait3A_267 = tpu.memref_squeeze %dma_wait3A_266 : memref<1x200xi32, #tpu.memory_space<vmem>> -> memref<200xi32, #tpu.memory_space<vmem>>
        %dma_wait3A_268 = arith.constant 128 : i32
        %dma_wait3A_269 = tpu.memref_slice %dma_wait3A_267[%dma_wait3A_268] : memref<200xi32, #tpu.memory_space<vmem>> -> memref<72xi32, #tpu.memory_space<vmem>>
        %dma_wait3A_270 = arith.constant 0 : i32
        %dma_wait3A_271 = arith.constant 0 : i32
        %dma_wait3A_272 = tpu.memref_slice %arg3[%dma_wait3A_270, %dma_wait3A_271] : memref<1015808x32xf32, #tpu.memory_space<hbm>> -> memref<1015808x32xf32, #tpu.memory_space<hbm>>
        tpu.wait_indirect_dma semaphore(%arg9 : memref<!tpu.dma_semaphore, #tpu.memory_space<semaphore_mem>>) src(%dma_wait3A_272 : memref<1015808x32xf32, #tpu.memory_space<hbm>>) dst(%dma_wait3A_264 : memref<72x32xf32, #tpu.memory_space<vmem>>)
        %lt3A_273 = arith.constant 7 : i32
        %lt3A_274 = arith.cmpi slt, %scan3A_158, %lt3A_273 : i32
        %convert_element_type3A_275 = arith.extui %lt3A_274 : i1 to i32
        %cond3A_276 = arith.constant 0 : i32
        %cond3A_277 = arith.cmpi ne, %convert_element_type3A_275, %cond3A_276 : i32
        scf.if %cond3A_277 {
          %add3A_487 = arith.constant 4 : i32
          %add3A_488 = arith.addi %add3A_240, %add3A_487 : i32
          %dma_start3A_489 = arith.constant 1 : i32
          %dma_start3A_490 = arith.constant 0 : i32
          %dma_start3A_491 = arith.constant 0 : i32
          %dma_start3A_492 = tpu.memref_slice %arg6[%dma_start3A_489, %dma_start3A_490, %dma_start3A_491] : memref<4x200x32xf32, #tpu.memory_space<vmem>> -> memref<1x200x32xf32, #tpu.memory_space<vmem>>
          %dma_start3A_493 = tpu.memref_squeeze %dma_start3A_492 : memref<1x200x32xf32, #tpu.memory_space<vmem>> -> memref<200x32xf32, #tpu.memory_space<vmem>>
          %dma_start3A_494 = arith.constant 0 : i32
          %dma_start3A_495 = arith.constant 0 : i32
          %dma_start3A_496 = tpu.memref_slice %dma_start3A_493[%dma_start3A_494, %dma_start3A_495] : memref<200x32xf32, #tpu.memory_space<vmem>> -> memref<128x32xf32, #tpu.memory_space<vmem>>
          %dma_start3A_497 = arith.constant 0 : i32
          %dma_start3A_498 = tpu.memref_slice %arg5[%add3A_488, %dma_start3A_497] : memref<32x200xi32, #tpu.memory_space<vmem>> -> memref<1x200xi32, #tpu.memory_space<vmem>>
          %dma_start3A_499 = tpu.memref_squeeze %dma_start3A_498 : memref<1x200xi32, #tpu.memory_space<vmem>> -> memref<200xi32, #tpu.memory_space<vmem>>
          %dma_start3A_500 = arith.constant 0 : i32
          %dma_start3A_501 = tpu.memref_slice %dma_start3A_499[%dma_start3A_500] : memref<200xi32, #tpu.memory_space<vmem>> -> memref<128xi32, #tpu.memory_space<vmem>>
          %dma_start3A_502 = arith.constant 0 : i32
          %dma_start3A_503 = arith.constant 0 : i32
          %dma_start3A_504 = tpu.memref_slice %arg3[%dma_start3A_502, %dma_start3A_503] : memref<1015808x32xf32, #tpu.memory_space<hbm>> -> memref<1015808x32xf32, #tpu.memory_space<hbm>>
          tpu.enqueue_indirect_dma source(%dma_start3A_504 : memref<1015808x32xf32, #tpu.memory_space<hbm>>) target(%dma_start3A_496 : memref<128x32xf32, #tpu.memory_space<vmem>>) offsets(%dma_start3A_501 : memref<128xi32, #tpu.memory_space<vmem>>) semaphore(%arg9 : memref<!tpu.dma_semaphore, #tpu.memory_space<semaphore_mem>>)
          %dma_start3A_505 = arith.constant 1 : i32
          %dma_start3A_506 = arith.constant 0 : i32
          %dma_start3A_507 = arith.constant 0 : i32
          %dma_start3A_508 = tpu.memref_slice %arg6[%dma_start3A_505, %dma_start3A_506, %dma_start3A_507] : memref<4x200x32xf32, #tpu.memory_space<vmem>> -> memref<1x200x32xf32, #tpu.memory_space<vmem>>
          %dma_start3A_509 = tpu.memref_squeeze %dma_start3A_508 : memref<1x200x32xf32, #tpu.memory_space<vmem>> -> memref<200x32xf32, #tpu.memory_space<vmem>>
          %dma_start3A_510 = arith.constant 128 : i32
          %dma_start3A_511 = arith.constant 0 : i32
          %dma_start3A_512 = tpu.memref_slice %dma_start3A_509[%dma_start3A_510, %dma_start3A_511] : memref<200x32xf32, #tpu.memory_space<vmem>> -> memref<72x32xf32, #tpu.memory_space<vmem>>
          %dma_start3A_513 = arith.constant 0 : i32
          %dma_start3A_514 = tpu.memref_slice %arg5[%add3A_488, %dma_start3A_513] : memref<32x200xi32, #tpu.memory_space<vmem>> -> memref<1x200xi32, #tpu.memory_space<vmem>>
          %dma_start3A_515 = tpu.memref_squeeze %dma_start3A_514 : memref<1x200xi32, #tpu.memory_space<vmem>> -> memref<200xi32, #tpu.memory_space<vmem>>
          %dma_start3A_516 = arith.constant 128 : i32
          %dma_start3A_517 = tpu.memref_slice %dma_start3A_515[%dma_start3A_516] : memref<200xi32, #tpu.memory_space<vmem>> -> memref<72xi32, #tpu.memory_space<vmem>>
          %dma_start3A_518 = arith.constant 0 : i32
          %dma_start3A_519 = arith.constant 0 : i32
          %dma_start3A_520 = tpu.memref_slice %arg3[%dma_start3A_518, %dma_start3A_519] : memref<1015808x32xf32, #tpu.memory_space<hbm>> -> memref<1015808x32xf32, #tpu.memory_space<hbm>>
          tpu.enqueue_indirect_dma source(%dma_start3A_520 : memref<1015808x32xf32, #tpu.memory_space<hbm>>) target(%dma_start3A_512 : memref<72x32xf32, #tpu.memory_space<vmem>>) offsets(%dma_start3A_517 : memref<72xi32, #tpu.memory_space<vmem>>) semaphore(%arg9 : memref<!tpu.dma_semaphore, #tpu.memory_space<semaphore_mem>>)
        } else {
        }
        %broadcast_in_dim3A_278 = arith.constant 0.000000e+00 : f32
        %broadcast_in_dim3A_279 = vector.broadcast %broadcast_in_dim3A_278 : f32 to vector<16xf32>
        %broadcast_in_dim3A_280 = arith.constant 0.000000e+00 : f32
        %broadcast_in_dim3A_281 = vector.broadcast %broadcast_in_dim3A_280 : f32 to vector<16xf32>
        %broadcast_in_dim3A_282 = arith.constant 0.000000e+00 : f32
        %broadcast_in_dim3A_283 = vector.broadcast %broadcast_in_dim3A_282 : f32 to vector<16xf32>
        %broadcast_in_dim3A_284 = arith.constant 0.000000e+00 : f32
        %broadcast_in_dim3A_285 = vector.broadcast %broadcast_in_dim3A_284 : f32 to vector<16xf32>
        %broadcast_in_dim3A_286 = arith.constant 0.000000e+00 : f32
        %broadcast_in_dim3A_287 = vector.broadcast %broadcast_in_dim3A_286 : f32 to vector<16xf32>
        %broadcast_in_dim3A_288 = arith.constant 0.000000e+00 : f32
        %broadcast_in_dim3A_289 = vector.broadcast %broadcast_in_dim3A_288 : f32 to vector<16xf32>
        %broadcast_in_dim3A_290 = arith.constant 0.000000e+00 : f32
        %broadcast_in_dim3A_291 = vector.broadcast %broadcast_in_dim3A_290 : f32 to vector<16xf32>
        %broadcast_in_dim3A_292 = arith.constant 0.000000e+00 : f32
        %broadcast_in_dim3A_293 = vector.broadcast %broadcast_in_dim3A_292 : f32 to vector<16xf32>
        %scan3A_294 = arith.constant 0 : i32
        %scan3A_295 = arith.constant 25 : i32
        %scan3A_296 = arith.addi %scan3A_294, %scan3A_295 : i32
        %scan3A_297 = arith.constant 1 : i32
        %scan3A_298:8 = scf.for %scan3A_487 = %scan3A_294 to %scan3A_296 step %scan3A_297 iter_args(%scan3A_488 = %broadcast_in_dim3A_279, %scan3A_489 = %broadcast_in_dim3A_281, %scan3A_490 = %broadcast_in_dim3A_283, %scan3A_491 = %broadcast_in_dim3A_285, %scan3A_492 = %broadcast_in_dim3A_287, %scan3A_493 = %broadcast_in_dim3A_289, %scan3A_494 = %broadcast_in_dim3A_291, %scan3A_495 = %broadcast_in_dim3A_293) -> (vector<16xf32>, vector<16xf32>, vector<16xf32>, vector<16xf32>, vector<16xf32>, vector<16xf32>, vector<16xf32>, vector<16xf32>)  : i32 {
          %mul3A_496 = arith.constant 8 : i32
          %mul3A_497 = arith.muli %scan3A_487, %mul3A_496 : i32
          %add3A_498 = arith.constant 0 : i32
          %add3A_499 = arith.addi %mul3A_497, %add3A_498 : i32
          %get3A = arith.constant 1 : i32
          %get3A_500 = arith.index_cast %get3A : i32 to index
          %get3A_501 = arith.index_cast %add3A_499 : i32 to index
          %get3A_502 = arith.constant 0 : index
          %get3A_503 = tpu.vector_load %arg6[%get3A_500, %get3A_501, %get3A_502] {strides = array<i32>} : memref<4x200x32xf32, #tpu.memory_space<vmem>>, vector<1x1x16xf32>,
          %get3A_504 = vector.shape_cast %get3A_503 : vector<1x1x16xf32> to vector<16xf32>
          %add3A_505 = arith.addf %scan3A_488, %get3A_504 : vector<16xf32>
          %get3A_506 = arith.constant 1 : i32
          %get3A_507 = arith.index_cast %get3A_506 : i32 to index
          %get3A_508 = arith.index_cast %add3A_499 : i32 to index
          %get3A_509 = arith.constant 16 : index
          %get3A_510 = tpu.vector_load %arg6[%get3A_507, %get3A_508, %get3A_509] {strides = array<i32>} : memref<4x200x32xf32, #tpu.memory_space<vmem>>, vector<1x1x16xf32>,
          %get3A_511 = vector.shape_cast %get3A_510 : vector<1x1x16xf32> to vector<16xf32>
          %add3A_512 = arith.addf %scan3A_489, %get3A_511 : vector<16xf32>
          %add3A_513 = arith.constant 1 : i32
          %add3A_514 = arith.addi %mul3A_497, %add3A_513 : i32
          %get3A_515 = arith.constant 1 : i32
          %get3A_516 = arith.index_cast %get3A_515 : i32 to index
          %get3A_517 = arith.index_cast %add3A_514 : i32 to index
          %get3A_518 = arith.constant 0 : index
          %get3A_519 = tpu.vector_load %arg6[%get3A_516, %get3A_517, %get3A_518] {strides = array<i32>} : memref<4x200x32xf32, #tpu.memory_space<vmem>>, vector<1x1x16xf32>,
          %get3A_520 = vector.shape_cast %get3A_519 : vector<1x1x16xf32> to vector<16xf32>
          %add3A_521 = arith.addf %scan3A_490, %get3A_520 : vector<16xf32>
          %get3A_522 = arith.constant 1 : i32
          %get3A_523 = arith.index_cast %get3A_522 : i32 to index
          %get3A_524 = arith.index_cast %add3A_514 : i32 to index
          %get3A_525 = arith.constant 16 : index
          %get3A_526 = tpu.vector_load %arg6[%get3A_523, %get3A_524, %get3A_525] {strides = array<i32>} : memref<4x200x32xf32, #tpu.memory_space<vmem>>, vector<1x1x16xf32>,
          %get3A_527 = vector.shape_cast %get3A_526 : vector<1x1x16xf32> to vector<16xf32>
          %add3A_528 = arith.addf %scan3A_491, %get3A_527 : vector<16xf32>
          %add3A_529 = arith.constant 2 : i32
          %add3A_530 = arith.addi %mul3A_497, %add3A_529 : i32
          %get3A_531 = arith.constant 1 : i32
          %get3A_532 = arith.index_cast %get3A_531 : i32 to index
          %get3A_533 = arith.index_cast %add3A_530 : i32 to index
          %get3A_534 = arith.constant 0 : index
          %get3A_535 = tpu.vector_load %arg6[%get3A_532, %get3A_533, %get3A_534] {strides = array<i32>} : memref<4x200x32xf32, #tpu.memory_space<vmem>>, vector<1x1x16xf32>,
          %get3A_536 = vector.shape_cast %get3A_535 : vector<1x1x16xf32> to vector<16xf32>
          %add3A_537 = arith.addf %scan3A_492, %get3A_536 : vector<16xf32>
          %get3A_538 = arith.constant 1 : i32
          %get3A_539 = arith.index_cast %get3A_538 : i32 to index
          %get3A_540 = arith.index_cast %add3A_530 : i32 to index
          %get3A_541 = arith.constant 16 : index
          %get3A_542 = tpu.vector_load %arg6[%get3A_539, %get3A_540, %get3A_541] {strides = array<i32>} : memref<4x200x32xf32, #tpu.memory_space<vmem>>, vector<1x1x16xf32>,
          %get3A_543 = vector.shape_cast %get3A_542 : vector<1x1x16xf32> to vector<16xf32>
          %add3A_544 = arith.addf %scan3A_493, %get3A_543 : vector<16xf32>
          %add3A_545 = arith.constant 3 : i32
          %add3A_546 = arith.addi %mul3A_497, %add3A_545 : i32
          %get3A_547 = arith.constant 1 : i32
          %get3A_548 = arith.index_cast %get3A_547 : i32 to index
          %get3A_549 = arith.index_cast %add3A_546 : i32 to index
          %get3A_550 = arith.constant 0 : index
          %get3A_551 = tpu.vector_load %arg6[%get3A_548, %get3A_549, %get3A_550] {strides = array<i32>} : memref<4x200x32xf32, #tpu.memory_space<vmem>>, vector<1x1x16xf32>,
          %get3A_552 = vector.shape_cast %get3A_551 : vector<1x1x16xf32> to vector<16xf32>
          %add3A_553 = arith.addf %scan3A_494, %get3A_552 : vector<16xf32>
          %get3A_554 = arith.constant 1 : i32
          %get3A_555 = arith.index_cast %get3A_554 : i32 to index
          %get3A_556 = arith.index_cast %add3A_546 : i32 to index
          %get3A_557 = arith.constant 16 : index
          %get3A_558 = tpu.vector_load %arg6[%get3A_555, %get3A_556, %get3A_557] {strides = array<i32>} : memref<4x200x32xf32, #tpu.memory_space<vmem>>, vector<1x1x16xf32>,
          %get3A_559 = vector.shape_cast %get3A_558 : vector<1x1x16xf32> to vector<16xf32>
          %add3A_560 = arith.addf %scan3A_495, %get3A_559 : vector<16xf32>
          %add3A_561 = arith.constant 4 : i32
          %add3A_562 = arith.addi %mul3A_497, %add3A_561 : i32
          %get3A_563 = arith.constant 1 : i32
          %get3A_564 = arith.index_cast %get3A_563 : i32 to index
          %get3A_565 = arith.index_cast %add3A_562 : i32 to index
          %get3A_566 = arith.constant 0 : index
          %get3A_567 = tpu.vector_load %arg6[%get3A_564, %get3A_565, %get3A_566] {strides = array<i32>} : memref<4x200x32xf32, #tpu.memory_space<vmem>>, vector<1x1x16xf32>,
          %get3A_568 = vector.shape_cast %get3A_567 : vector<1x1x16xf32> to vector<16xf32>
          %add3A_569 = arith.addf %add3A_505, %get3A_568 : vector<16xf32>
          %get3A_570 = arith.constant 1 : i32
          %get3A_571 = arith.index_cast %get3A_570 : i32 to index
          %get3A_572 = arith.index_cast %add3A_562 : i32 to index
          %get3A_573 = arith.constant 16 : index
          %get3A_574 = tpu.vector_load %arg6[%get3A_571, %get3A_572, %get3A_573] {strides = array<i32>} : memref<4x200x32xf32, #tpu.memory_space<vmem>>, vector<1x1x16xf32>,
          %get3A_575 = vector.shape_cast %get3A_574 : vector<1x1x16xf32> to vector<16xf32>
          %add3A_576 = arith.addf %add3A_512, %get3A_575 : vector<16xf32>
          %add3A_577 = arith.constant 5 : i32
          %add3A_578 = arith.addi %mul3A_497, %add3A_577 : i32
          %get3A_579 = arith.constant 1 : i32
          %get3A_580 = arith.index_cast %get3A_579 : i32 to index
          %get3A_581 = arith.index_cast %add3A_578 : i32 to index
          %get3A_582 = arith.constant 0 : index
          %get3A_583 = tpu.vector_load %arg6[%get3A_580, %get3A_581, %get3A_582] {strides = array<i32>} : memref<4x200x32xf32, #tpu.memory_space<vmem>>, vector<1x1x16xf32>,
          %get3A_584 = vector.shape_cast %get3A_583 : vector<1x1x16xf32> to vector<16xf32>
          %add3A_585 = arith.addf %add3A_521, %get3A_584 : vector<16xf32>
          %get3A_586 = arith.constant 1 : i32
          %get3A_587 = arith.index_cast %get3A_586 : i32 to index
          %get3A_588 = arith.index_cast %add3A_578 : i32 to index
          %get3A_589 = arith.constant 16 : index
          %get3A_590 = tpu.vector_load %arg6[%get3A_587, %get3A_588, %get3A_589] {strides = array<i32>} : memref<4x200x32xf32, #tpu.memory_space<vmem>>, vector<1x1x16xf32>,
          %get3A_591 = vector.shape_cast %get3A_590 : vector<1x1x16xf32> to vector<16xf32>
          %add3A_592 = arith.addf %add3A_528, %get3A_591 : vector<16xf32>
          %add3A_593 = arith.constant 6 : i32
          %add3A_594 = arith.addi %mul3A_497, %add3A_593 : i32
          %get3A_595 = arith.constant 1 : i32
          %get3A_596 = arith.index_cast %get3A_595 : i32 to index
          %get3A_597 = arith.index_cast %add3A_594 : i32 to index
          %get3A_598 = arith.constant 0 : index
          %get3A_599 = tpu.vector_load %arg6[%get3A_596, %get3A_597, %get3A_598] {strides = array<i32>} : memref<4x200x32xf32, #tpu.memory_space<vmem>>, vector<1x1x16xf32>,
          %get3A_600 = vector.shape_cast %get3A_599 : vector<1x1x16xf32> to vector<16xf32>
          %add3A_601 = arith.addf %add3A_537, %get3A_600 : vector<16xf32>
          %get3A_602 = arith.constant 1 : i32
          %get3A_603 = arith.index_cast %get3A_602 : i32 to index
          %get3A_604 = arith.index_cast %add3A_594 : i32 to index
          %get3A_605 = arith.constant 16 : index
          %get3A_606 = tpu.vector_load %arg6[%get3A_603, %get3A_604, %get3A_605] {strides = array<i32>} : memref<4x200x32xf32, #tpu.memory_space<vmem>>, vector<1x1x16xf32>,
          %get3A_607 = vector.shape_cast %get3A_606 : vector<1x1x16xf32> to vector<16xf32>
          %add3A_608 = arith.addf %add3A_544, %get3A_607 : vector<16xf32>
          %add3A_609 = arith.constant 7 : i32
          %add3A_610 = arith.addi %mul3A_497, %add3A_609 : i32
          %get3A_611 = arith.constant 1 : i32
          %get3A_612 = arith.index_cast %get3A_611 : i32 to index
          %get3A_613 = arith.index_cast %add3A_610 : i32 to index
          %get3A_614 = arith.constant 0 : index
          %get3A_615 = tpu.vector_load %arg6[%get3A_612, %get3A_613, %get3A_614] {strides = array<i32>} : memref<4x200x32xf32, #tpu.memory_space<vmem>>, vector<1x1x16xf32>,
          %get3A_616 = vector.shape_cast %get3A_615 : vector<1x1x16xf32> to vector<16xf32>
          %add3A_617 = arith.addf %add3A_553, %get3A_616 : vector<16xf32>
          %get3A_618 = arith.constant 1 : i32
          %get3A_619 = arith.index_cast %get3A_618 : i32 to index
          %get3A_620 = arith.index_cast %add3A_610 : i32 to index
          %get3A_621 = arith.constant 16 : index
          %get3A_622 = tpu.vector_load %arg6[%get3A_619, %get3A_620, %get3A_621] {strides = array<i32>} : memref<4x200x32xf32, #tpu.memory_space<vmem>>, vector<1x1x16xf32>,
          %get3A_623 = vector.shape_cast %get3A_622 : vector<1x1x16xf32> to vector<16xf32>
          %add3A_624 = arith.addf %add3A_560, %get3A_623 : vector<16xf32>
          scf.yield %add3A_569, %add3A_576, %add3A_585, %add3A_592, %add3A_601, %add3A_608, %add3A_617, %add3A_624 : vector<16xf32>, vector<16xf32>, vector<16xf32>, vector<16xf32>, vector<16xf32>, vector<16xf32>, vector<16xf32>, vector<16xf32>
        }
        %scan3A_299 = arith.constant 25 : i32
        %add3A_300 = arith.addf %scan3A_298#0, %scan3A_298#2 : vector<16xf32>
        %add3A_301 = arith.addf %scan3A_298#4, %scan3A_298#6 : vector<16xf32>
        %add3A_302 = arith.addf %add3A_300, %add3A_301 : vector<16xf32>
        %add3A_303 = arith.addf %scan3A_298#1, %scan3A_298#3 : vector<16xf32>
        %add3A_304 = arith.addf %scan3A_298#5, %scan3A_298#7 : vector<16xf32>
        %add3A_305 = arith.addf %add3A_303, %add3A_304 : vector<16xf32>
        %mul3A_306 = vector.broadcast %scan3A : f32 to vector<16xf32>
        %mul3A_307 = arith.mulf %add3A_302, %mul3A_306 : vector<16xf32>
        %mul3A_308 = vector.broadcast %scan3A : f32 to vector<16xf32>
        %mul3A_309 = arith.mulf %add3A_305, %mul3A_308 : vector<16xf32>
        %swap3A_310 = arith.index_cast %add3A_240 : i32 to index
        %swap3A_311 = arith.constant 0 : index
        %swap3A_312 = tpu.vector_load %arg7[%swap3A_310, %swap3A_311] {strides = array<i32>} : memref<32x32xf32, #tpu.memory_space<vmem>>, vector<1x16xf32>,
        %swap3A_313 = vector.shape_cast %swap3A_312 : vector<1x16xf32> to vector<16xf32>
        %swap3A_314 = vector.shape_cast %mul3A_307 : vector<16xf32> to vector<1x16xf32>
        tpu.vector_store %arg7[%swap3A_310, %swap3A_311], %swap3A_314 {strides = array<i32>} : memref<32x32xf32, #tpu.memory_space<vmem>>, vector<1x16xf32>,
        %swap3A_315 = arith.index_cast %add3A_240 : i32 to index
        %swap3A_316 = arith.constant 16 : index
        %swap3A_317 = tpu.vector_load %arg7[%swap3A_315, %swap3A_316] {strides = array<i32>} : memref<32x32xf32, #tpu.memory_space<vmem>>, vector<1x16xf32>,
        %swap3A_318 = vector.shape_cast %swap3A_317 : vector<1x16xf32> to vector<16xf32>
        %swap3A_319 = vector.shape_cast %mul3A_309 : vector<16xf32> to vector<1x16xf32>
        tpu.vector_store %arg7[%swap3A_315, %swap3A_316], %swap3A_319 {strides = array<i32>} : memref<32x32xf32, #tpu.memory_space<vmem>>, vector<1x16xf32>,
        %mul3A_320 = arith.constant 4 : i32
        %mul3A_321 = arith.muli %scan3A_158, %mul3A_320 : i32
        %add3A_322 = arith.constant 2 : i32
        %add3A_323 = arith.addi %mul3A_321, %add3A_322 : i32
        %dma_wait3A_324 = arith.constant 2 : i32
        %dma_wait3A_325 = arith.constant 0 : i32
        %dma_wait3A_326 = arith.constant 0 : i32
        %dma_wait3A_327 = tpu.memref_slice %arg6[%dma_wait3A_324, %dma_wait3A_325, %dma_wait3A_326] : memref<4x200x32xf32, #tpu.memory_space<vmem>> -> memref<1x200x32xf32, #tpu.memory_space<vmem>>
        %dma_wait3A_328 = tpu.memref_squeeze %dma_wait3A_327 : memref<1x200x32xf32, #tpu.memory_space<vmem>> -> memref<200x32xf32, #tpu.memory_space<vmem>>
        %dma_wait3A_329 = arith.constant 0 : i32
        %dma_wait3A_330 = arith.constant 0 : i32
        %dma_wait3A_331 = tpu.memref_slice %dma_wait3A_328[%dma_wait3A_329, %dma_wait3A_330] : memref<200x32xf32, #tpu.memory_space<vmem>> -> memref<128x32xf32, #tpu.memory_space<vmem>>
        %dma_wait3A_332 = arith.constant 0 : i32
        %dma_wait3A_333 = tpu.memref_slice %arg5[%add3A_323, %dma_wait3A_332] : memref<32x200xi32, #tpu.memory_space<vmem>> -> memref<1x200xi32, #tpu.memory_space<vmem>>
        %dma_wait3A_334 = tpu.memref_squeeze %dma_wait3A_333 : memref<1x200xi32, #tpu.memory_space<vmem>> -> memref<200xi32, #tpu.memory_space<vmem>>
        %dma_wait3A_335 = arith.constant 0 : i32
        %dma_wait3A_336 = tpu.memref_slice %dma_wait3A_334[%dma_wait3A_335] : memref<200xi32, #tpu.memory_space<vmem>> -> memref<128xi32, #tpu.memory_space<vmem>>
        %dma_wait3A_337 = arith.constant 0 : i32
        %dma_wait3A_338 = arith.constant 0 : i32
        %dma_wait3A_339 = tpu.memref_slice %arg3[%dma_wait3A_337, %dma_wait3A_338] : memref<1015808x32xf32, #tpu.memory_space<hbm>> -> memref<1015808x32xf32, #tpu.memory_space<hbm>>
        tpu.wait_indirect_dma semaphore(%arg10 : memref<!tpu.dma_semaphore, #tpu.memory_space<semaphore_mem>>) src(%dma_wait3A_339 : memref<1015808x32xf32, #tpu.memory_space<hbm>>) dst(%dma_wait3A_331 : memref<128x32xf32, #tpu.memory_space<vmem>>)
        %dma_wait3A_340 = arith.constant 2 : i32
        %dma_wait3A_341 = arith.constant 0 : i32
        %dma_wait3A_342 = arith.constant 0 : i32
        %dma_wait3A_343 = tpu.memref_slice %arg6[%dma_wait3A_340, %dma_wait3A_341, %dma_wait3A_342] : memref<4x200x32xf32, #tpu.memory_space<vmem>> -> memref<1x200x32xf32, #tpu.memory_space<vmem>>
        %dma_wait3A_344 = tpu.memref_squeeze %dma_wait3A_343 : memref<1x200x32xf32, #tpu.memory_space<vmem>> -> memref<200x32xf32, #tpu.memory_space<vmem>>
        %dma_wait3A_345 = arith.constant 128 : i32
        %dma_wait3A_346 = arith.constant 0 : i32
        %dma_wait3A_347 = tpu.memref_slice %dma_wait3A_344[%dma_wait3A_345, %dma_wait3A_346] : memref<200x32xf32, #tpu.memory_space<vmem>> -> memref<72x32xf32, #tpu.memory_space<vmem>>
        %dma_wait3A_348 = arith.constant 0 : i32
        %dma_wait3A_349 = tpu.memref_slice %arg5[%add3A_323, %dma_wait3A_348] : memref<32x200xi32, #tpu.memory_space<vmem>> -> memref<1x200xi32, #tpu.memory_space<vmem>>
        %dma_wait3A_350 = tpu.memref_squeeze %dma_wait3A_349 : memref<1x200xi32, #tpu.memory_space<vmem>> -> memref<200xi32, #tpu.memory_space<vmem>>
        %dma_wait3A_351 = arith.constant 128 : i32
        %dma_wait3A_352 = tpu.memref_slice %dma_wait3A_350[%dma_wait3A_351] : memref<200xi32, #tpu.memory_space<vmem>> -> memref<72xi32, #tpu.memory_space<vmem>>
        %dma_wait3A_353 = arith.constant 0 : i32
        %dma_wait3A_354 = arith.constant 0 : i32
        %dma_wait3A_355 = tpu.memref_slice %arg3[%dma_wait3A_353, %dma_wait3A_354] : memref<1015808x32xf32, #tpu.memory_space<hbm>> -> memref<1015808x32xf32, #tpu.memory_space<hbm>>
        tpu.wait_indirect_dma semaphore(%arg10 : memref<!tpu.dma_semaphore, #tpu.memory_space<semaphore_mem>>) src(%dma_wait3A_355 : memref<1015808x32xf32, #tpu.memory_space<hbm>>) dst(%dma_wait3A_347 : memref<72x32xf32, #tpu.memory_space<vmem>>)
        %lt3A_356 = arith.constant 7 : i32
        %lt3A_357 = arith.cmpi slt, %scan3A_158, %lt3A_356 : i32
        %convert_element_type3A_358 = arith.extui %lt3A_357 : i1 to i32
        %cond3A_359 = arith.constant 0 : i32
        %cond3A_360 = arith.cmpi ne, %convert_element_type3A_358, %cond3A_359 : i32
        scf.if %cond3A_360 {
          %add3A_487 = arith.constant 4 : i32
          %add3A_488 = arith.addi %add3A_323, %add3A_487 : i32
          %dma_start3A_489 = arith.constant 2 : i32
          %dma_start3A_490 = arith.constant 0 : i32
          %dma_start3A_491 = arith.constant 0 : i32
          %dma_start3A_492 = tpu.memref_slice %arg6[%dma_start3A_489, %dma_start3A_490, %dma_start3A_491] : memref<4x200x32xf32, #tpu.memory_space<vmem>> -> memref<1x200x32xf32, #tpu.memory_space<vmem>>
          %dma_start3A_493 = tpu.memref_squeeze %dma_start3A_492 : memref<1x200x32xf32, #tpu.memory_space<vmem>> -> memref<200x32xf32, #tpu.memory_space<vmem>>
          %dma_start3A_494 = arith.constant 0 : i32
          %dma_start3A_495 = arith.constant 0 : i32
          %dma_start3A_496 = tpu.memref_slice %dma_start3A_493[%dma_start3A_494, %dma_start3A_495] : memref<200x32xf32, #tpu.memory_space<vmem>> -> memref<128x32xf32, #tpu.memory_space<vmem>>
          %dma_start3A_497 = arith.constant 0 : i32
          %dma_start3A_498 = tpu.memref_slice %arg5[%add3A_488, %dma_start3A_497] : memref<32x200xi32, #tpu.memory_space<vmem>> -> memref<1x200xi32, #tpu.memory_space<vmem>>
          %dma_start3A_499 = tpu.memref_squeeze %dma_start3A_498 : memref<1x200xi32, #tpu.memory_space<vmem>> -> memref<200xi32, #tpu.memory_space<vmem>>
          %dma_start3A_500 = arith.constant 0 : i32
          %dma_start3A_501 = tpu.memref_slice %dma_start3A_499[%dma_start3A_500] : memref<200xi32, #tpu.memory_space<vmem>> -> memref<128xi32, #tpu.memory_space<vmem>>
          %dma_start3A_502 = arith.constant 0 : i32
          %dma_start3A_503 = arith.constant 0 : i32
          %dma_start3A_504 = tpu.memref_slice %arg3[%dma_start3A_502, %dma_start3A_503] : memref<1015808x32xf32, #tpu.memory_space<hbm>> -> memref<1015808x32xf32, #tpu.memory_space<hbm>>
          tpu.enqueue_indirect_dma source(%dma_start3A_504 : memref<1015808x32xf32, #tpu.memory_space<hbm>>) target(%dma_start3A_496 : memref<128x32xf32, #tpu.memory_space<vmem>>) offsets(%dma_start3A_501 : memref<128xi32, #tpu.memory_space<vmem>>) semaphore(%arg10 : memref<!tpu.dma_semaphore, #tpu.memory_space<semaphore_mem>>)
          %dma_start3A_505 = arith.constant 2 : i32
          %dma_start3A_506 = arith.constant 0 : i32
          %dma_start3A_507 = arith.constant 0 : i32
          %dma_start3A_508 = tpu.memref_slice %arg6[%dma_start3A_505, %dma_start3A_506, %dma_start3A_507] : memref<4x200x32xf32, #tpu.memory_space<vmem>> -> memref<1x200x32xf32, #tpu.memory_space<vmem>>
          %dma_start3A_509 = tpu.memref_squeeze %dma_start3A_508 : memref<1x200x32xf32, #tpu.memory_space<vmem>> -> memref<200x32xf32, #tpu.memory_space<vmem>>
          %dma_start3A_510 = arith.constant 128 : i32
          %dma_start3A_511 = arith.constant 0 : i32
          %dma_start3A_512 = tpu.memref_slice %dma_start3A_509[%dma_start3A_510, %dma_start3A_511] : memref<200x32xf32, #tpu.memory_space<vmem>> -> memref<72x32xf32, #tpu.memory_space<vmem>>
          %dma_start3A_513 = arith.constant 0 : i32
          %dma_start3A_514 = tpu.memref_slice %arg5[%add3A_488, %dma_start3A_513] : memref<32x200xi32, #tpu.memory_space<vmem>> -> memref<1x200xi32, #tpu.memory_space<vmem>>
          %dma_start3A_515 = tpu.memref_squeeze %dma_start3A_514 : memref<1x200xi32, #tpu.memory_space<vmem>> -> memref<200xi32, #tpu.memory_space<vmem>>
          %dma_start3A_516 = arith.constant 128 : i32
          %dma_start3A_517 = tpu.memref_slice %dma_start3A_515[%dma_start3A_516] : memref<200xi32, #tpu.memory_space<vmem>> -> memref<72xi32, #tpu.memory_space<vmem>>
          %dma_start3A_518 = arith.constant 0 : i32
          %dma_start3A_519 = arith.constant 0 : i32
          %dma_start3A_520 = tpu.memref_slice %arg3[%dma_start3A_518, %dma_start3A_519] : memref<1015808x32xf32, #tpu.memory_space<hbm>> -> memref<1015808x32xf32, #tpu.memory_space<hbm>>
          tpu.enqueue_indirect_dma source(%dma_start3A_520 : memref<1015808x32xf32, #tpu.memory_space<hbm>>) target(%dma_start3A_512 : memref<72x32xf32, #tpu.memory_space<vmem>>) offsets(%dma_start3A_517 : memref<72xi32, #tpu.memory_space<vmem>>) semaphore(%arg10 : memref<!tpu.dma_semaphore, #tpu.memory_space<semaphore_mem>>)
        } else {
        }
        %broadcast_in_dim3A_361 = arith.constant 0.000000e+00 : f32
        %broadcast_in_dim3A_362 = vector.broadcast %broadcast_in_dim3A_361 : f32 to vector<16xf32>
        %broadcast_in_dim3A_363 = arith.constant 0.000000e+00 : f32
        %broadcast_in_dim3A_364 = vector.broadcast %broadcast_in_dim3A_363 : f32 to vector<16xf32>
        %broadcast_in_dim3A_365 = arith.constant 0.000000e+00 : f32
        %broadcast_in_dim3A_366 = vector.broadcast %broadcast_in_dim3A_365 : f32 to vector<16xf32>
        %broadcast_in_dim3A_367 = arith.constant 0.000000e+00 : f32
        %broadcast_in_dim3A_368 = vector.broadcast %broadcast_in_dim3A_367 : f32 to vector<16xf32>
        %broadcast_in_dim3A_369 = arith.constant 0.000000e+00 : f32
        %broadcast_in_dim3A_370 = vector.broadcast %broadcast_in_dim3A_369 : f32 to vector<16xf32>
        %broadcast_in_dim3A_371 = arith.constant 0.000000e+00 : f32
        %broadcast_in_dim3A_372 = vector.broadcast %broadcast_in_dim3A_371 : f32 to vector<16xf32>
        %broadcast_in_dim3A_373 = arith.constant 0.000000e+00 : f32
        %broadcast_in_dim3A_374 = vector.broadcast %broadcast_in_dim3A_373 : f32 to vector<16xf32>
        %broadcast_in_dim3A_375 = arith.constant 0.000000e+00 : f32
        %broadcast_in_dim3A_376 = vector.broadcast %broadcast_in_dim3A_375 : f32 to vector<16xf32>
        %scan3A_377 = arith.constant 0 : i32
        %scan3A_378 = arith.constant 25 : i32
        %scan3A_379 = arith.addi %scan3A_377, %scan3A_378 : i32
        %scan3A_380 = arith.constant 1 : i32
        %scan3A_381:8 = scf.for %scan3A_487 = %scan3A_377 to %scan3A_379 step %scan3A_380 iter_args(%scan3A_488 = %broadcast_in_dim3A_362, %scan3A_489 = %broadcast_in_dim3A_364, %scan3A_490 = %broadcast_in_dim3A_366, %scan3A_491 = %broadcast_in_dim3A_368, %scan3A_492 = %broadcast_in_dim3A_370, %scan3A_493 = %broadcast_in_dim3A_372, %scan3A_494 = %broadcast_in_dim3A_374, %scan3A_495 = %broadcast_in_dim3A_376) -> (vector<16xf32>, vector<16xf32>, vector<16xf32>, vector<16xf32>, vector<16xf32>, vector<16xf32>, vector<16xf32>, vector<16xf32>)  : i32 {
          %mul3A_496 = arith.constant 8 : i32
          %mul3A_497 = arith.muli %scan3A_487, %mul3A_496 : i32
          %add3A_498 = arith.constant 0 : i32
          %add3A_499 = arith.addi %mul3A_497, %add3A_498 : i32
          %get3A = arith.constant 2 : i32
          %get3A_500 = arith.index_cast %get3A : i32 to index
          %get3A_501 = arith.index_cast %add3A_499 : i32 to index
          %get3A_502 = arith.constant 0 : index
          %get3A_503 = tpu.vector_load %arg6[%get3A_500, %get3A_501, %get3A_502] {strides = array<i32>} : memref<4x200x32xf32, #tpu.memory_space<vmem>>, vector<1x1x16xf32>,
          %get3A_504 = vector.shape_cast %get3A_503 : vector<1x1x16xf32> to vector<16xf32>
          %add3A_505 = arith.addf %scan3A_488, %get3A_504 : vector<16xf32>
          %get3A_506 = arith.constant 2 : i32
          %get3A_507 = arith.index_cast %get3A_506 : i32 to index
          %get3A_508 = arith.index_cast %add3A_499 : i32 to index
          %get3A_509 = arith.constant 16 : index
          %get3A_510 = tpu.vector_load %arg6[%get3A_507, %get3A_508, %get3A_509] {strides = array<i32>} : memref<4x200x32xf32, #tpu.memory_space<vmem>>, vector<1x1x16xf32>,
          %get3A_511 = vector.shape_cast %get3A_510 : vector<1x1x16xf32> to vector<16xf32>
          %add3A_512 = arith.addf %scan3A_489, %get3A_511 : vector<16xf32>
          %add3A_513 = arith.constant 1 : i32
          %add3A_514 = arith.addi %mul3A_497, %add3A_513 : i32
          %get3A_515 = arith.constant 2 : i32
          %get3A_516 = arith.index_cast %get3A_515 : i32 to index
          %get3A_517 = arith.index_cast %add3A_514 : i32 to index
          %get3A_518 = arith.constant 0 : index
          %get3A_519 = tpu.vector_load %arg6[%get3A_516, %get3A_517, %get3A_518] {strides = array<i32>} : memref<4x200x32xf32, #tpu.memory_space<vmem>>, vector<1x1x16xf32>,
          %get3A_520 = vector.shape_cast %get3A_519 : vector<1x1x16xf32> to vector<16xf32>
          %add3A_521 = arith.addf %scan3A_490, %get3A_520 : vector<16xf32>
          %get3A_522 = arith.constant 2 : i32
          %get3A_523 = arith.index_cast %get3A_522 : i32 to index
          %get3A_524 = arith.index_cast %add3A_514 : i32 to index
          %get3A_525 = arith.constant 16 : index
          %get3A_526 = tpu.vector_load %arg6[%get3A_523, %get3A_524, %get3A_525] {strides = array<i32>} : memref<4x200x32xf32, #tpu.memory_space<vmem>>, vector<1x1x16xf32>,
          %get3A_527 = vector.shape_cast %get3A_526 : vector<1x1x16xf32> to vector<16xf32>
          %add3A_528 = arith.addf %scan3A_491, %get3A_527 : vector<16xf32>
          %add3A_529 = arith.constant 2 : i32
          %add3A_530 = arith.addi %mul3A_497, %add3A_529 : i32
          %get3A_531 = arith.constant 2 : i32
          %get3A_532 = arith.index_cast %get3A_531 : i32 to index
          %get3A_533 = arith.index_cast %add3A_530 : i32 to index
          %get3A_534 = arith.constant 0 : index
          %get3A_535 = tpu.vector_load %arg6[%get3A_532, %get3A_533, %get3A_534] {strides = array<i32>} : memref<4x200x32xf32, #tpu.memory_space<vmem>>, vector<1x1x16xf32>,
          %get3A_536 = vector.shape_cast %get3A_535 : vector<1x1x16xf32> to vector<16xf32>
          %add3A_537 = arith.addf %scan3A_492, %get3A_536 : vector<16xf32>
          %get3A_538 = arith.constant 2 : i32
          %get3A_539 = arith.index_cast %get3A_538 : i32 to index
          %get3A_540 = arith.index_cast %add3A_530 : i32 to index
          %get3A_541 = arith.constant 16 : index
          %get3A_542 = tpu.vector_load %arg6[%get3A_539, %get3A_540, %get3A_541] {strides = array<i32>} : memref<4x200x32xf32, #tpu.memory_space<vmem>>, vector<1x1x16xf32>,
          %get3A_543 = vector.shape_cast %get3A_542 : vector<1x1x16xf32> to vector<16xf32>
          %add3A_544 = arith.addf %scan3A_493, %get3A_543 : vector<16xf32>
          %add3A_545 = arith.constant 3 : i32
          %add3A_546 = arith.addi %mul3A_497, %add3A_545 : i32
          %get3A_547 = arith.constant 2 : i32
          %get3A_548 = arith.index_cast %get3A_547 : i32 to index
          %get3A_549 = arith.index_cast %add3A_546 : i32 to index
          %get3A_550 = arith.constant 0 : index
          %get3A_551 = tpu.vector_load %arg6[%get3A_548, %get3A_549, %get3A_550] {strides = array<i32>} : memref<4x200x32xf32, #tpu.memory_space<vmem>>, vector<1x1x16xf32>,
          %get3A_552 = vector.shape_cast %get3A_551 : vector<1x1x16xf32> to vector<16xf32>
          %add3A_553 = arith.addf %scan3A_494, %get3A_552 : vector<16xf32>
          %get3A_554 = arith.constant 2 : i32
          %get3A_555 = arith.index_cast %get3A_554 : i32 to index
          %get3A_556 = arith.index_cast %add3A_546 : i32 to index
          %get3A_557 = arith.constant 16 : index
          %get3A_558 = tpu.vector_load %arg6[%get3A_555, %get3A_556, %get3A_557] {strides = array<i32>} : memref<4x200x32xf32, #tpu.memory_space<vmem>>, vector<1x1x16xf32>,
          %get3A_559 = vector.shape_cast %get3A_558 : vector<1x1x16xf32> to vector<16xf32>
          %add3A_560 = arith.addf %scan3A_495, %get3A_559 : vector<16xf32>
          %add3A_561 = arith.constant 4 : i32
          %add3A_562 = arith.addi %mul3A_497, %add3A_561 : i32
          %get3A_563 = arith.constant 2 : i32
          %get3A_564 = arith.index_cast %get3A_563 : i32 to index
          %get3A_565 = arith.index_cast %add3A_562 : i32 to index
          %get3A_566 = arith.constant 0 : index
          %get3A_567 = tpu.vector_load %arg6[%get3A_564, %get3A_565, %get3A_566] {strides = array<i32>} : memref<4x200x32xf32, #tpu.memory_space<vmem>>, vector<1x1x16xf32>,
          %get3A_568 = vector.shape_cast %get3A_567 : vector<1x1x16xf32> to vector<16xf32>
          %add3A_569 = arith.addf %add3A_505, %get3A_568 : vector<16xf32>
          %get3A_570 = arith.constant 2 : i32
          %get3A_571 = arith.index_cast %get3A_570 : i32 to index
          %get3A_572 = arith.index_cast %add3A_562 : i32 to index
          %get3A_573 = arith.constant 16 : index
          %get3A_574 = tpu.vector_load %arg6[%get3A_571, %get3A_572, %get3A_573] {strides = array<i32>} : memref<4x200x32xf32, #tpu.memory_space<vmem>>, vector<1x1x16xf32>,
          %get3A_575 = vector.shape_cast %get3A_574 : vector<1x1x16xf32> to vector<16xf32>
          %add3A_576 = arith.addf %add3A_512, %get3A_575 : vector<16xf32>
          %add3A_577 = arith.constant 5 : i32
          %add3A_578 = arith.addi %mul3A_497, %add3A_577 : i32
          %get3A_579 = arith.constant 2 : i32
          %get3A_580 = arith.index_cast %get3A_579 : i32 to index
          %get3A_581 = arith.index_cast %add3A_578 : i32 to index
          %get3A_582 = arith.constant 0 : index
          %get3A_583 = tpu.vector_load %arg6[%get3A_580, %get3A_581, %get3A_582] {strides = array<i32>} : memref<4x200x32xf32, #tpu.memory_space<vmem>>, vector<1x1x16xf32>,
          %get3A_584 = vector.shape_cast %get3A_583 : vector<1x1x16xf32> to vector<16xf32>
          %add3A_585 = arith.addf %add3A_521, %get3A_584 : vector<16xf32>
          %get3A_586 = arith.constant 2 : i32
          %get3A_587 = arith.index_cast %get3A_586 : i32 to index
          %get3A_588 = arith.index_cast %add3A_578 : i32 to index
          %get3A_589 = arith.constant 16 : index
          %get3A_590 = tpu.vector_load %arg6[%get3A_587, %get3A_588, %get3A_589] {strides = array<i32>} : memref<4x200x32xf32, #tpu.memory_space<vmem>>, vector<1x1x16xf32>,
          %get3A_591 = vector.shape_cast %get3A_590 : vector<1x1x16xf32> to vector<16xf32>
          %add3A_592 = arith.addf %add3A_528, %get3A_591 : vector<16xf32>
          %add3A_593 = arith.constant 6 : i32
          %add3A_594 = arith.addi %mul3A_497, %add3A_593 : i32
          %get3A_595 = arith.constant 2 : i32
          %get3A_596 = arith.index_cast %get3A_595 : i32 to index
          %get3A_597 = arith.index_cast %add3A_594 : i32 to index
          %get3A_598 = arith.constant 0 : index
          %get3A_599 = tpu.vector_load %arg6[%get3A_596, %get3A_597, %get3A_598] {strides = array<i32>} : memref<4x200x32xf32, #tpu.memory_space<vmem>>, vector<1x1x16xf32>,
          %get3A_600 = vector.shape_cast %get3A_599 : vector<1x1x16xf32> to vector<16xf32>
          %add3A_601 = arith.addf %add3A_537, %get3A_600 : vector<16xf32>
          %get3A_602 = arith.constant 2 : i32
          %get3A_603 = arith.index_cast %get3A_602 : i32 to index
          %get3A_604 = arith.index_cast %add3A_594 : i32 to index
          %get3A_605 = arith.constant 16 : index
          %get3A_606 = tpu.vector_load %arg6[%get3A_603, %get3A_604, %get3A_605] {strides = array<i32>} : memref<4x200x32xf32, #tpu.memory_space<vmem>>, vector<1x1x16xf32>,
          %get3A_607 = vector.shape_cast %get3A_606 : vector<1x1x16xf32> to vector<16xf32>
          %add3A_608 = arith.addf %add3A_544, %get3A_607 : vector<16xf32>
          %add3A_609 = arith.constant 7 : i32
          %add3A_610 = arith.addi %mul3A_497, %add3A_609 : i32
          %get3A_611 = arith.constant 2 : i32
          %get3A_612 = arith.index_cast %get3A_611 : i32 to index
          %get3A_613 = arith.index_cast %add3A_610 : i32 to index
          %get3A_614 = arith.constant 0 : index
          %get3A_615 = tpu.vector_load %arg6[%get3A_612, %get3A_613, %get3A_614] {strides = array<i32>} : memref<4x200x32xf32, #tpu.memory_space<vmem>>, vector<1x1x16xf32>,
          %get3A_616 = vector.shape_cast %get3A_615 : vector<1x1x16xf32> to vector<16xf32>
          %add3A_617 = arith.addf %add3A_553, %get3A_616 : vector<16xf32>
          %get3A_618 = arith.constant 2 : i32
          %get3A_619 = arith.index_cast %get3A_618 : i32 to index
          %get3A_620 = arith.index_cast %add3A_610 : i32 to index
          %get3A_621 = arith.constant 16 : index
          %get3A_622 = tpu.vector_load %arg6[%get3A_619, %get3A_620, %get3A_621] {strides = array<i32>} : memref<4x200x32xf32, #tpu.memory_space<vmem>>, vector<1x1x16xf32>,
          %get3A_623 = vector.shape_cast %get3A_622 : vector<1x1x16xf32> to vector<16xf32>
          %add3A_624 = arith.addf %add3A_560, %get3A_623 : vector<16xf32>
          scf.yield %add3A_569, %add3A_576, %add3A_585, %add3A_592, %add3A_601, %add3A_608, %add3A_617, %add3A_624 : vector<16xf32>, vector<16xf32>, vector<16xf32>, vector<16xf32>, vector<16xf32>, vector<16xf32>, vector<16xf32>, vector<16xf32>
        }
        %scan3A_382 = arith.constant 25 : i32
        %add3A_383 = arith.addf %scan3A_381#0, %scan3A_381#2 : vector<16xf32>
        %add3A_384 = arith.addf %scan3A_381#4, %scan3A_381#6 : vector<16xf32>
        %add3A_385 = arith.addf %add3A_383, %add3A_384 : vector<16xf32>
        %add3A_386 = arith.addf %scan3A_381#1, %scan3A_381#3 : vector<16xf32>
        %add3A_387 = arith.addf %scan3A_381#5, %scan3A_381#7 : vector<16xf32>
        %add3A_388 = arith.addf %add3A_386, %add3A_387 : vector<16xf32>
        %mul3A_389 = vector.broadcast %scan3A : f32 to vector<16xf32>
        %mul3A_390 = arith.mulf %add3A_385, %mul3A_389 : vector<16xf32>
        %mul3A_391 = vector.broadcast %scan3A : f32 to vector<16xf32>
        %mul3A_392 = arith.mulf %add3A_388, %mul3A_391 : vector<16xf32>
        %swap3A_393 = arith.index_cast %add3A_323 : i32 to index
        %swap3A_394 = arith.constant 0 : index
        %swap3A_395 = tpu.vector_load %arg7[%swap3A_393, %swap3A_394] {strides = array<i32>} : memref<32x32xf32, #tpu.memory_space<vmem>>, vector<1x16xf32>,
        %swap3A_396 = vector.shape_cast %swap3A_395 : vector<1x16xf32> to vector<16xf32>
        %swap3A_397 = vector.shape_cast %mul3A_390 : vector<16xf32> to vector<1x16xf32>
        tpu.vector_store %arg7[%swap3A_393, %swap3A_394], %swap3A_397 {strides = array<i32>} : memref<32x32xf32, #tpu.memory_space<vmem>>, vector<1x16xf32>,
        %swap3A_398 = arith.index_cast %add3A_323 : i32 to index
        %swap3A_399 = arith.constant 16 : index
        %swap3A_400 = tpu.vector_load %arg7[%swap3A_398, %swap3A_399] {strides = array<i32>} : memref<32x32xf32, #tpu.memory_space<vmem>>, vector<1x16xf32>,
        %swap3A_401 = vector.shape_cast %swap3A_400 : vector<1x16xf32> to vector<16xf32>
        %swap3A_402 = vector.shape_cast %mul3A_392 : vector<16xf32> to vector<1x16xf32>
        tpu.vector_store %arg7[%swap3A_398, %swap3A_399], %swap3A_402 {strides = array<i32>} : memref<32x32xf32, #tpu.memory_space<vmem>>, vector<1x16xf32>,
        %mul3A_403 = arith.constant 4 : i32
        %mul3A_404 = arith.muli %scan3A_158, %mul3A_403 : i32
        %add3A_405 = arith.constant 3 : i32
        %add3A_406 = arith.addi %mul3A_404, %add3A_405 : i32
        %dma_wait3A_407 = arith.constant 3 : i32
        %dma_wait3A_408 = arith.constant 0 : i32
        %dma_wait3A_409 = arith.constant 0 : i32
        %dma_wait3A_410 = tpu.memref_slice %arg6[%dma_wait3A_407, %dma_wait3A_408, %dma_wait3A_409] : memref<4x200x32xf32, #tpu.memory_space<vmem>> -> memref<1x200x32xf32, #tpu.memory_space<vmem>>
        %dma_wait3A_411 = tpu.memref_squeeze %dma_wait3A_410 : memref<1x200x32xf32, #tpu.memory_space<vmem>> -> memref<200x32xf32, #tpu.memory_space<vmem>>
        %dma_wait3A_412 = arith.constant 0 : i32
        %dma_wait3A_413 = arith.constant 0 : i32
        %dma_wait3A_414 = tpu.memref_slice %dma_wait3A_411[%dma_wait3A_412, %dma_wait3A_413] : memref<200x32xf32, #tpu.memory_space<vmem>> -> memref<128x32xf32, #tpu.memory_space<vmem>>
        %dma_wait3A_415 = arith.constant 0 : i32
        %dma_wait3A_416 = tpu.memref_slice %arg5[%add3A_406, %dma_wait3A_415] : memref<32x200xi32, #tpu.memory_space<vmem>> -> memref<1x200xi32, #tpu.memory_space<vmem>>
        %dma_wait3A_417 = tpu.memref_squeeze %dma_wait3A_416 : memref<1x200xi32, #tpu.memory_space<vmem>> -> memref<200xi32, #tpu.memory_space<vmem>>
        %dma_wait3A_418 = arith.constant 0 : i32
        %dma_wait3A_419 = tpu.memref_slice %dma_wait3A_417[%dma_wait3A_418] : memref<200xi32, #tpu.memory_space<vmem>> -> memref<128xi32, #tpu.memory_space<vmem>>
        %dma_wait3A_420 = arith.constant 0 : i32
        %dma_wait3A_421 = arith.constant 0 : i32
        %dma_wait3A_422 = tpu.memref_slice %arg3[%dma_wait3A_420, %dma_wait3A_421] : memref<1015808x32xf32, #tpu.memory_space<hbm>> -> memref<1015808x32xf32, #tpu.memory_space<hbm>>
        tpu.wait_indirect_dma semaphore(%arg11 : memref<!tpu.dma_semaphore, #tpu.memory_space<semaphore_mem>>) src(%dma_wait3A_422 : memref<1015808x32xf32, #tpu.memory_space<hbm>>) dst(%dma_wait3A_414 : memref<128x32xf32, #tpu.memory_space<vmem>>)
        %dma_wait3A_423 = arith.constant 3 : i32
        %dma_wait3A_424 = arith.constant 0 : i32
        %dma_wait3A_425 = arith.constant 0 : i32
        %dma_wait3A_426 = tpu.memref_slice %arg6[%dma_wait3A_423, %dma_wait3A_424, %dma_wait3A_425] : memref<4x200x32xf32, #tpu.memory_space<vmem>> -> memref<1x200x32xf32, #tpu.memory_space<vmem>>
        %dma_wait3A_427 = tpu.memref_squeeze %dma_wait3A_426 : memref<1x200x32xf32, #tpu.memory_space<vmem>> -> memref<200x32xf32, #tpu.memory_space<vmem>>
        %dma_wait3A_428 = arith.constant 128 : i32
        %dma_wait3A_429 = arith.constant 0 : i32
        %dma_wait3A_430 = tpu.memref_slice %dma_wait3A_427[%dma_wait3A_428, %dma_wait3A_429] : memref<200x32xf32, #tpu.memory_space<vmem>> -> memref<72x32xf32, #tpu.memory_space<vmem>>
        %dma_wait3A_431 = arith.constant 0 : i32
        %dma_wait3A_432 = tpu.memref_slice %arg5[%add3A_406, %dma_wait3A_431] : memref<32x200xi32, #tpu.memory_space<vmem>> -> memref<1x200xi32, #tpu.memory_space<vmem>>
        %dma_wait3A_433 = tpu.memref_squeeze %dma_wait3A_432 : memref<1x200xi32, #tpu.memory_space<vmem>> -> memref<200xi32, #tpu.memory_space<vmem>>
        %dma_wait3A_434 = arith.constant 128 : i32
        %dma_wait3A_435 = tpu.memref_slice %dma_wait3A_433[%dma_wait3A_434] : memref<200xi32, #tpu.memory_space<vmem>> -> memref<72xi32, #tpu.memory_space<vmem>>
        %dma_wait3A_436 = arith.constant 0 : i32
        %dma_wait3A_437 = arith.constant 0 : i32
        %dma_wait3A_438 = tpu.memref_slice %arg3[%dma_wait3A_436, %dma_wait3A_437] : memref<1015808x32xf32, #tpu.memory_space<hbm>> -> memref<1015808x32xf32, #tpu.memory_space<hbm>>
        tpu.wait_indirect_dma semaphore(%arg11 : memref<!tpu.dma_semaphore, #tpu.memory_space<semaphore_mem>>) src(%dma_wait3A_438 : memref<1015808x32xf32, #tpu.memory_space<hbm>>) dst(%dma_wait3A_430 : memref<72x32xf32, #tpu.memory_space<vmem>>)
        %lt3A_439 = arith.constant 7 : i32
        %lt3A_440 = arith.cmpi slt, %scan3A_158, %lt3A_439 : i32
        %convert_element_type3A_441 = arith.extui %lt3A_440 : i1 to i32
        %cond3A_442 = arith.constant 0 : i32
        %cond3A_443 = arith.cmpi ne, %convert_element_type3A_441, %cond3A_442 : i32
        scf.if %cond3A_443 {
          %add3A_487 = arith.constant 4 : i32
          %add3A_488 = arith.addi %add3A_406, %add3A_487 : i32
          %dma_start3A_489 = arith.constant 3 : i32
          %dma_start3A_490 = arith.constant 0 : i32
          %dma_start3A_491 = arith.constant 0 : i32
          %dma_start3A_492 = tpu.memref_slice %arg6[%dma_start3A_489, %dma_start3A_490, %dma_start3A_491] : memref<4x200x32xf32, #tpu.memory_space<vmem>> -> memref<1x200x32xf32, #tpu.memory_space<vmem>>
          %dma_start3A_493 = tpu.memref_squeeze %dma_start3A_492 : memref<1x200x32xf32, #tpu.memory_space<vmem>> -> memref<200x32xf32, #tpu.memory_space<vmem>>
          %dma_start3A_494 = arith.constant 0 : i32
          %dma_start3A_495 = arith.constant 0 : i32
          %dma_start3A_496 = tpu.memref_slice %dma_start3A_493[%dma_start3A_494, %dma_start3A_495] : memref<200x32xf32, #tpu.memory_space<vmem>> -> memref<128x32xf32, #tpu.memory_space<vmem>>
          %dma_start3A_497 = arith.constant 0 : i32
          %dma_start3A_498 = tpu.memref_slice %arg5[%add3A_488, %dma_start3A_497] : memref<32x200xi32, #tpu.memory_space<vmem>> -> memref<1x200xi32, #tpu.memory_space<vmem>>
          %dma_start3A_499 = tpu.memref_squeeze %dma_start3A_498 : memref<1x200xi32, #tpu.memory_space<vmem>> -> memref<200xi32, #tpu.memory_space<vmem>>
          %dma_start3A_500 = arith.constant 0 : i32
          %dma_start3A_501 = tpu.memref_slice %dma_start3A_499[%dma_start3A_500] : memref<200xi32, #tpu.memory_space<vmem>> -> memref<128xi32, #tpu.memory_space<vmem>>
          %dma_start3A_502 = arith.constant 0 : i32
          %dma_start3A_503 = arith.constant 0 : i32
          %dma_start3A_504 = tpu.memref_slice %arg3[%dma_start3A_502, %dma_start3A_503] : memref<1015808x32xf32, #tpu.memory_space<hbm>> -> memref<1015808x32xf32, #tpu.memory_space<hbm>>
          tpu.enqueue_indirect_dma source(%dma_start3A_504 : memref<1015808x32xf32, #tpu.memory_space<hbm>>) target(%dma_start3A_496 : memref<128x32xf32, #tpu.memory_space<vmem>>) offsets(%dma_start3A_501 : memref<128xi32, #tpu.memory_space<vmem>>) semaphore(%arg11 : memref<!tpu.dma_semaphore, #tpu.memory_space<semaphore_mem>>)
          %dma_start3A_505 = arith.constant 3 : i32
          %dma_start3A_506 = arith.constant 0 : i32
          %dma_start3A_507 = arith.constant 0 : i32
          %dma_start3A_508 = tpu.memref_slice %arg6[%dma_start3A_505, %dma_start3A_506, %dma_start3A_507] : memref<4x200x32xf32, #tpu.memory_space<vmem>> -> memref<1x200x32xf32, #tpu.memory_space<vmem>>
          %dma_start3A_509 = tpu.memref_squeeze %dma_start3A_508 : memref<1x200x32xf32, #tpu.memory_space<vmem>> -> memref<200x32xf32, #tpu.memory_space<vmem>>
          %dma_start3A_510 = arith.constant 128 : i32
          %dma_start3A_511 = arith.constant 0 : i32
          %dma_start3A_512 = tpu.memref_slice %dma_start3A_509[%dma_start3A_510, %dma_start3A_511] : memref<200x32xf32, #tpu.memory_space<vmem>> -> memref<72x32xf32, #tpu.memory_space<vmem>>
          %dma_start3A_513 = arith.constant 0 : i32
          %dma_start3A_514 = tpu.memref_slice %arg5[%add3A_488, %dma_start3A_513] : memref<32x200xi32, #tpu.memory_space<vmem>> -> memref<1x200xi32, #tpu.memory_space<vmem>>
          %dma_start3A_515 = tpu.memref_squeeze %dma_start3A_514 : memref<1x200xi32, #tpu.memory_space<vmem>> -> memref<200xi32, #tpu.memory_space<vmem>>
          %dma_start3A_516 = arith.constant 128 : i32
          %dma_start3A_517 = tpu.memref_slice %dma_start3A_515[%dma_start3A_516] : memref<200xi32, #tpu.memory_space<vmem>> -> memref<72xi32, #tpu.memory_space<vmem>>
          %dma_start3A_518 = arith.constant 0 : i32
          %dma_start3A_519 = arith.constant 0 : i32
          %dma_start3A_520 = tpu.memref_slice %arg3[%dma_start3A_518, %dma_start3A_519] : memref<1015808x32xf32, #tpu.memory_space<hbm>> -> memref<1015808x32xf32, #tpu.memory_space<hbm>>
          tpu.enqueue_indirect_dma source(%dma_start3A_520 : memref<1015808x32xf32, #tpu.memory_space<hbm>>) target(%dma_start3A_512 : memref<72x32xf32, #tpu.memory_space<vmem>>) offsets(%dma_start3A_517 : memref<72xi32, #tpu.memory_space<vmem>>) semaphore(%arg11 : memref<!tpu.dma_semaphore, #tpu.memory_space<semaphore_mem>>)
        } else {
        }
        %broadcast_in_dim3A_444 = arith.constant 0.000000e+00 : f32
        %broadcast_in_dim3A_445 = vector.broadcast %broadcast_in_dim3A_444 : f32 to vector<16xf32>
        %broadcast_in_dim3A_446 = arith.constant 0.000000e+00 : f32
        %broadcast_in_dim3A_447 = vector.broadcast %broadcast_in_dim3A_446 : f32 to vector<16xf32>
        %broadcast_in_dim3A_448 = arith.constant 0.000000e+00 : f32
        %broadcast_in_dim3A_449 = vector.broadcast %broadcast_in_dim3A_448 : f32 to vector<16xf32>
        %broadcast_in_dim3A_450 = arith.constant 0.000000e+00 : f32
        %broadcast_in_dim3A_451 = vector.broadcast %broadcast_in_dim3A_450 : f32 to vector<16xf32>
        %broadcast_in_dim3A_452 = arith.constant 0.000000e+00 : f32
        %broadcast_in_dim3A_453 = vector.broadcast %broadcast_in_dim3A_452 : f32 to vector<16xf32>
        %broadcast_in_dim3A_454 = arith.constant 0.000000e+00 : f32
        %broadcast_in_dim3A_455 = vector.broadcast %broadcast_in_dim3A_454 : f32 to vector<16xf32>
        %broadcast_in_dim3A_456 = arith.constant 0.000000e+00 : f32
        %broadcast_in_dim3A_457 = vector.broadcast %broadcast_in_dim3A_456 : f32 to vector<16xf32>
        %broadcast_in_dim3A_458 = arith.constant 0.000000e+00 : f32
        %broadcast_in_dim3A_459 = vector.broadcast %broadcast_in_dim3A_458 : f32 to vector<16xf32>
        %scan3A_460 = arith.constant 0 : i32
        %scan3A_461 = arith.constant 25 : i32
        %scan3A_462 = arith.addi %scan3A_460, %scan3A_461 : i32
        %scan3A_463 = arith.constant 1 : i32
        %scan3A_464:8 = scf.for %scan3A_487 = %scan3A_460 to %scan3A_462 step %scan3A_463 iter_args(%scan3A_488 = %broadcast_in_dim3A_445, %scan3A_489 = %broadcast_in_dim3A_447, %scan3A_490 = %broadcast_in_dim3A_449, %scan3A_491 = %broadcast_in_dim3A_451, %scan3A_492 = %broadcast_in_dim3A_453, %scan3A_493 = %broadcast_in_dim3A_455, %scan3A_494 = %broadcast_in_dim3A_457, %scan3A_495 = %broadcast_in_dim3A_459) -> (vector<16xf32>, vector<16xf32>, vector<16xf32>, vector<16xf32>, vector<16xf32>, vector<16xf32>, vector<16xf32>, vector<16xf32>)  : i32 {
          %mul3A_496 = arith.constant 8 : i32
          %mul3A_497 = arith.muli %scan3A_487, %mul3A_496 : i32
          %add3A_498 = arith.constant 0 : i32
          %add3A_499 = arith.addi %mul3A_497, %add3A_498 : i32
          %get3A = arith.constant 3 : i32
          %get3A_500 = arith.index_cast %get3A : i32 to index
          %get3A_501 = arith.index_cast %add3A_499 : i32 to index
          %get3A_502 = arith.constant 0 : index
          %get3A_503 = tpu.vector_load %arg6[%get3A_500, %get3A_501, %get3A_502] {strides = array<i32>} : memref<4x200x32xf32, #tpu.memory_space<vmem>>, vector<1x1x16xf32>,
          %get3A_504 = vector.shape_cast %get3A_503 : vector<1x1x16xf32> to vector<16xf32>
          %add3A_505 = arith.addf %scan3A_488, %get3A_504 : vector<16xf32>
          %get3A_506 = arith.constant 3 : i32
          %get3A_507 = arith.index_cast %get3A_506 : i32 to index
          %get3A_508 = arith.index_cast %add3A_499 : i32 to index
          %get3A_509 = arith.constant 16 : index
          %get3A_510 = tpu.vector_load %arg6[%get3A_507, %get3A_508, %get3A_509] {strides = array<i32>} : memref<4x200x32xf32, #tpu.memory_space<vmem>>, vector<1x1x16xf32>,
          %get3A_511 = vector.shape_cast %get3A_510 : vector<1x1x16xf32> to vector<16xf32>
          %add3A_512 = arith.addf %scan3A_489, %get3A_511 : vector<16xf32>
          %add3A_513 = arith.constant 1 : i32
          %add3A_514 = arith.addi %mul3A_497, %add3A_513 : i32
          %get3A_515 = arith.constant 3 : i32
          %get3A_516 = arith.index_cast %get3A_515 : i32 to index
          %get3A_517 = arith.index_cast %add3A_514 : i32 to index
          %get3A_518 = arith.constant 0 : index
          %get3A_519 = tpu.vector_load %arg6[%get3A_516, %get3A_517, %get3A_518] {strides = array<i32>} : memref<4x200x32xf32, #tpu.memory_space<vmem>>, vector<1x1x16xf32>,
          %get3A_520 = vector.shape_cast %get3A_519 : vector<1x1x16xf32> to vector<16xf32>
          %add3A_521 = arith.addf %scan3A_490, %get3A_520 : vector<16xf32>
          %get3A_522 = arith.constant 3 : i32
          %get3A_523 = arith.index_cast %get3A_522 : i32 to index
          %get3A_524 = arith.index_cast %add3A_514 : i32 to index
          %get3A_525 = arith.constant 16 : index
          %get3A_526 = tpu.vector_load %arg6[%get3A_523, %get3A_524, %get3A_525] {strides = array<i32>} : memref<4x200x32xf32, #tpu.memory_space<vmem>>, vector<1x1x16xf32>,
          %get3A_527 = vector.shape_cast %get3A_526 : vector<1x1x16xf32> to vector<16xf32>
          %add3A_528 = arith.addf %scan3A_491, %get3A_527 : vector<16xf32>
          %add3A_529 = arith.constant 2 : i32
          %add3A_530 = arith.addi %mul3A_497, %add3A_529 : i32
          %get3A_531 = arith.constant 3 : i32
          %get3A_532 = arith.index_cast %get3A_531 : i32 to index
          %get3A_533 = arith.index_cast %add3A_530 : i32 to index
          %get3A_534 = arith.constant 0 : index
          %get3A_535 = tpu.vector_load %arg6[%get3A_532, %get3A_533, %get3A_534] {strides = array<i32>} : memref<4x200x32xf32, #tpu.memory_space<vmem>>, vector<1x1x16xf32>,
          %get3A_536 = vector.shape_cast %get3A_535 : vector<1x1x16xf32> to vector<16xf32>
          %add3A_537 = arith.addf %scan3A_492, %get3A_536 : vector<16xf32>
          %get3A_538 = arith.constant 3 : i32
          %get3A_539 = arith.index_cast %get3A_538 : i32 to index
          %get3A_540 = arith.index_cast %add3A_530 : i32 to index
          %get3A_541 = arith.constant 16 : index
          %get3A_542 = tpu.vector_load %arg6[%get3A_539, %get3A_540, %get3A_541] {strides = array<i32>} : memref<4x200x32xf32, #tpu.memory_space<vmem>>, vector<1x1x16xf32>,
          %get3A_543 = vector.shape_cast %get3A_542 : vector<1x1x16xf32> to vector<16xf32>
          %add3A_544 = arith.addf %scan3A_493, %get3A_543 : vector<16xf32>
          %add3A_545 = arith.constant 3 : i32
          %add3A_546 = arith.addi %mul3A_497, %add3A_545 : i32
          %get3A_547 = arith.constant 3 : i32
          %get3A_548 = arith.index_cast %get3A_547 : i32 to index
          %get3A_549 = arith.index_cast %add3A_546 : i32 to index
          %get3A_550 = arith.constant 0 : index
          %get3A_551 = tpu.vector_load %arg6[%get3A_548, %get3A_549, %get3A_550] {strides = array<i32>} : memref<4x200x32xf32, #tpu.memory_space<vmem>>, vector<1x1x16xf32>,
          %get3A_552 = vector.shape_cast %get3A_551 : vector<1x1x16xf32> to vector<16xf32>
          %add3A_553 = arith.addf %scan3A_494, %get3A_552 : vector<16xf32>
          %get3A_554 = arith.constant 3 : i32
          %get3A_555 = arith.index_cast %get3A_554 : i32 to index
          %get3A_556 = arith.index_cast %add3A_546 : i32 to index
          %get3A_557 = arith.constant 16 : index
          %get3A_558 = tpu.vector_load %arg6[%get3A_555, %get3A_556, %get3A_557] {strides = array<i32>} : memref<4x200x32xf32, #tpu.memory_space<vmem>>, vector<1x1x16xf32>,
          %get3A_559 = vector.shape_cast %get3A_558 : vector<1x1x16xf32> to vector<16xf32>
          %add3A_560 = arith.addf %scan3A_495, %get3A_559 : vector<16xf32>
          %add3A_561 = arith.constant 4 : i32
          %add3A_562 = arith.addi %mul3A_497, %add3A_561 : i32
          %get3A_563 = arith.constant 3 : i32
          %get3A_564 = arith.index_cast %get3A_563 : i32 to index
          %get3A_565 = arith.index_cast %add3A_562 : i32 to index
          %get3A_566 = arith.constant 0 : index
          %get3A_567 = tpu.vector_load %arg6[%get3A_564, %get3A_565, %get3A_566] {strides = array<i32>} : memref<4x200x32xf32, #tpu.memory_space<vmem>>, vector<1x1x16xf32>,
          %get3A_568 = vector.shape_cast %get3A_567 : vector<1x1x16xf32> to vector<16xf32>
          %add3A_569 = arith.addf %add3A_505, %get3A_568 : vector<16xf32>
          %get3A_570 = arith.constant 3 : i32
          %get3A_571 = arith.index_cast %get3A_570 : i32 to index
          %get3A_572 = arith.index_cast %add3A_562 : i32 to index
          %get3A_573 = arith.constant 16 : index
          %get3A_574 = tpu.vector_load %arg6[%get3A_571, %get3A_572, %get3A_573] {strides = array<i32>} : memref<4x200x32xf32, #tpu.memory_space<vmem>>, vector<1x1x16xf32>,
          %get3A_575 = vector.shape_cast %get3A_574 : vector<1x1x16xf32> to vector<16xf32>
          %add3A_576 = arith.addf %add3A_512, %get3A_575 : vector<16xf32>
          %add3A_577 = arith.constant 5 : i32
          %add3A_578 = arith.addi %mul3A_497, %add3A_577 : i32
          %get3A_579 = arith.constant 3 : i32
          %get3A_580 = arith.index_cast %get3A_579 : i32 to index
          %get3A_581 = arith.index_cast %add3A_578 : i32 to index
          %get3A_582 = arith.constant 0 : index
          %get3A_583 = tpu.vector_load %arg6[%get3A_580, %get3A_581, %get3A_582] {strides = array<i32>} : memref<4x200x32xf32, #tpu.memory_space<vmem>>, vector<1x1x16xf32>,
          %get3A_584 = vector.shape_cast %get3A_583 : vector<1x1x16xf32> to vector<16xf32>
          %add3A_585 = arith.addf %add3A_521, %get3A_584 : vector<16xf32>
          %get3A_586 = arith.constant 3 : i32
          %get3A_587 = arith.index_cast %get3A_586 : i32 to index
          %get3A_588 = arith.index_cast %add3A_578 : i32 to index
          %get3A_589 = arith.constant 16 : index
          %get3A_590 = tpu.vector_load %arg6[%get3A_587, %get3A_588, %get3A_589] {strides = array<i32>} : memref<4x200x32xf32, #tpu.memory_space<vmem>>, vector<1x1x16xf32>,
          %get3A_591 = vector.shape_cast %get3A_590 : vector<1x1x16xf32> to vector<16xf32>
          %add3A_592 = arith.addf %add3A_528, %get3A_591 : vector<16xf32>
          %add3A_593 = arith.constant 6 : i32
          %add3A_594 = arith.addi %mul3A_497, %add3A_593 : i32
          %get3A_595 = arith.constant 3 : i32
          %get3A_596 = arith.index_cast %get3A_595 : i32 to index
          %get3A_597 = arith.index_cast %add3A_594 : i32 to index
          %get3A_598 = arith.constant 0 : index
          %get3A_599 = tpu.vector_load %arg6[%get3A_596, %get3A_597, %get3A_598] {strides = array<i32>} : memref<4x200x32xf32, #tpu.memory_space<vmem>>, vector<1x1x16xf32>,
          %get3A_600 = vector.shape_cast %get3A_599 : vector<1x1x16xf32> to vector<16xf32>
          %add3A_601 = arith.addf %add3A_537, %get3A_600 : vector<16xf32>
          %get3A_602 = arith.constant 3 : i32
          %get3A_603 = arith.index_cast %get3A_602 : i32 to index
          %get3A_604 = arith.index_cast %add3A_594 : i32 to index
          %get3A_605 = arith.constant 16 : index
          %get3A_606 = tpu.vector_load %arg6[%get3A_603, %get3A_604, %get3A_605] {strides = array<i32>} : memref<4x200x32xf32, #tpu.memory_space<vmem>>, vector<1x1x16xf32>,
          %get3A_607 = vector.shape_cast %get3A_606 : vector<1x1x16xf32> to vector<16xf32>
          %add3A_608 = arith.addf %add3A_544, %get3A_607 : vector<16xf32>
          %add3A_609 = arith.constant 7 : i32
          %add3A_610 = arith.addi %mul3A_497, %add3A_609 : i32
          %get3A_611 = arith.constant 3 : i32
          %get3A_612 = arith.index_cast %get3A_611 : i32 to index
          %get3A_613 = arith.index_cast %add3A_610 : i32 to index
          %get3A_614 = arith.constant 0 : index
          %get3A_615 = tpu.vector_load %arg6[%get3A_612, %get3A_613, %get3A_614] {strides = array<i32>} : memref<4x200x32xf32, #tpu.memory_space<vmem>>, vector<1x1x16xf32>,
          %get3A_616 = vector.shape_cast %get3A_615 : vector<1x1x16xf32> to vector<16xf32>
          %add3A_617 = arith.addf %add3A_553, %get3A_616 : vector<16xf32>
          %get3A_618 = arith.constant 3 : i32
          %get3A_619 = arith.index_cast %get3A_618 : i32 to index
          %get3A_620 = arith.index_cast %add3A_610 : i32 to index
          %get3A_621 = arith.constant 16 : index
          %get3A_622 = tpu.vector_load %arg6[%get3A_619, %get3A_620, %get3A_621] {strides = array<i32>} : memref<4x200x32xf32, #tpu.memory_space<vmem>>, vector<1x1x16xf32>,
          %get3A_623 = vector.shape_cast %get3A_622 : vector<1x1x16xf32> to vector<16xf32>
          %add3A_624 = arith.addf %add3A_560, %get3A_623 : vector<16xf32>
          scf.yield %add3A_569, %add3A_576, %add3A_585, %add3A_592, %add3A_601, %add3A_608, %add3A_617, %add3A_624 : vector<16xf32>, vector<16xf32>, vector<16xf32>, vector<16xf32>, vector<16xf32>, vector<16xf32>, vector<16xf32>, vector<16xf32>
        }
        %scan3A_465 = arith.constant 25 : i32
        %add3A_466 = arith.addf %scan3A_464#0, %scan3A_464#2 : vector<16xf32>
        %add3A_467 = arith.addf %scan3A_464#4, %scan3A_464#6 : vector<16xf32>
        %add3A_468 = arith.addf %add3A_466, %add3A_467 : vector<16xf32>
        %add3A_469 = arith.addf %scan3A_464#1, %scan3A_464#3 : vector<16xf32>
        %add3A_470 = arith.addf %scan3A_464#5, %scan3A_464#7 : vector<16xf32>
        %add3A_471 = arith.addf %add3A_469, %add3A_470 : vector<16xf32>
        %mul3A_472 = vector.broadcast %scan3A : f32 to vector<16xf32>
        %mul3A_473 = arith.mulf %add3A_468, %mul3A_472 : vector<16xf32>
        %mul3A_474 = vector.broadcast %scan3A : f32 to vector<16xf32>
        %mul3A_475 = arith.mulf %add3A_471, %mul3A_474 : vector<16xf32>
        %swap3A_476 = arith.index_cast %add3A_406 : i32 to index
        %swap3A_477 = arith.constant 0 : index
        %swap3A_478 = tpu.vector_load %arg7[%swap3A_476, %swap3A_477] {strides = array<i32>} : memref<32x32xf32, #tpu.memory_space<vmem>>, vector<1x16xf32>,
        %swap3A_479 = vector.shape_cast %swap3A_478 : vector<1x16xf32> to vector<16xf32>
        %swap3A_480 = vector.shape_cast %mul3A_473 : vector<16xf32> to vector<1x16xf32>
        tpu.vector_store %arg7[%swap3A_476, %swap3A_477], %swap3A_480 {strides = array<i32>} : memref<32x32xf32, #tpu.memory_space<vmem>>, vector<1x16xf32>,
        %swap3A_481 = arith.index_cast %add3A_406 : i32 to index
        %swap3A_482 = arith.constant 16 : index
        %swap3A_483 = tpu.vector_load %arg7[%swap3A_481, %swap3A_482] {strides = array<i32>} : memref<32x32xf32, #tpu.memory_space<vmem>>, vector<1x16xf32>,
        %swap3A_484 = vector.shape_cast %swap3A_483 : vector<1x16xf32> to vector<16xf32>
        %swap3A_485 = vector.shape_cast %mul3A_475 : vector<16xf32> to vector<1x16xf32>
        tpu.vector_store %arg7[%swap3A_481, %swap3A_482], %swap3A_485 {strides = array<i32>} : memref<32x32xf32, #tpu.memory_space<vmem>>, vector<1x16xf32>,
        %scan3A_486 = arith.constant 0 : i32
        scf.yield %scan3A_486 : i32
      }
      %scan3A_156 = arith.constant 8 : i32
      "tpu.region"() ({
        %run_scoped3A = tpu.sem_alloc : memref<!tpu.dma_semaphore, #tpu.memory_space<semaphore_mem>>
        %dma_start3A_158 = arith.constant 0 : i32
        %dma_start3A_159 = tpu.memref_slice %arg4[%add3A_14, %dma_start3A_158] : memref<16384x32xf32, #tpu.memory_space<hbm>> -> memref<32x32xf32, #tpu.memory_space<hbm>>
        %dma_start3A_160 = arith.constant 0 : i32
        %dma_start3A_161 = tpu.memref_slice %arg4[%add3A_14, %dma_start3A_160] : memref<16384x32xf32, #tpu.memory_space<hbm>> -> memref<32x32xf32, #tpu.memory_space<hbm>>
        tpu.enqueue_dma source(%arg7 : memref<32x32xf32, #tpu.memory_space<vmem>>) target(%dma_start3A_161 : memref<32x32xf32, #tpu.memory_space<hbm>>) target_semaphore(%run_scoped3A : memref<!tpu.dma_semaphore, #tpu.memory_space<semaphore_mem>>)
        %dma_wait3A = arith.constant 0 : i32
        %dma_wait3A_162 = tpu.memref_slice %arg4[%add3A_14, %dma_wait3A] : memref<16384x32xf32, #tpu.memory_space<hbm>> -> memref<32x32xf32, #tpu.memory_space<hbm>>
        %dma_wait3A_163 = arith.constant 0 : i32
        %dma_wait3A_164 = tpu.memref_slice %arg4[%add3A_14, %dma_wait3A_163] : memref<16384x32xf32, #tpu.memory_space<hbm>> -> memref<32x32xf32, #tpu.memory_space<hbm>>
        tpu.wait_dma2 semaphore(%run_scoped3A : memref<!tpu.dma_semaphore, #tpu.memory_space<semaphore_mem>>) src(%arg7 : memref<32x32xf32, #tpu.memory_space<vmem>>) dst(%dma_wait3A_164 : memref<32x32xf32, #tpu.memory_space<hbm>>)
        tpu.yield
      }) : () -> ()
      %scan3A_157 = arith.constant 0 : i32
      scf.yield %scan3A_157 : i32
    }
    %scan3A_9 = arith.constant 16 : i32
    return
  }
}

module attributes {stable_mosaic.version = 14 : i64} {
  func.func @_repack_body(%arg0: i32, %arg1: memref<32x16384xf32, #tpu.memory_space<vmem>>, %arg2: memref<4096x128xf32, #tpu.memory_space<vmem>>) attributes {dimension_semantics = [#tpu.dimension_semantics<arbitrary>], iteration_bounds = array<i64: 62>, scalar_prefetch = 0 : i64, scratch_operands = 0 : i64, tpu.core_type = #tpu.core_type<tc>, window_params = [{transform_indices = @transform_0, window_bounds = array<i64: 32, 16384>}, {transform_indices = @transform_1, window_bounds = array<i64: 4096, 128>}]} {
    %get3A = arith.constant 0 : index
    %get3A_0 = arith.constant 0 : index
    %get3A_1 = vector.load %arg1[%get3A, %get3A_0] : memref<32x16384xf32, #tpu.memory_space<vmem>>, vector<32x16384xf32>
    %transpose3A = tpu.transpose %get3A_1, [1, 0] : vector<32x16384xf32> -> vector<16384x32xf32>
    %reshape3A = vector.shape_cast %transpose3A : vector<16384x32xf32> to vector<4096x4x32xf32>
    %slice3A = vector.extract_strided_slice %reshape3A {offsets = [0, 0, 0], sizes = [4096, 1, 32], strides = [1, 1, 1]} : vector<4096x4x32xf32> to vector<4096x1x32xf32>
    %squeeze3A = vector.shape_cast %slice3A : vector<4096x1x32xf32> to vector<4096x32xf32>
    %swap3A = arith.constant 0 : index
    %swap3A_2 = arith.constant 0 : index
    %swap3A_3 = vector.load %arg2[%swap3A, %swap3A_2] : memref<4096x128xf32, #tpu.memory_space<vmem>>, vector<4096x32xf32>
    tpu.vector_store %arg2[%swap3A, %swap3A_2], %squeeze3A {strides = array<i32>} : memref<4096x128xf32, #tpu.memory_space<vmem>>, vector<4096x32xf32>,
    %slice3A_4 = vector.extract_strided_slice %reshape3A {offsets = [0, 1, 0], sizes = [4096, 1, 32], strides = [1, 1, 1]} : vector<4096x4x32xf32> to vector<4096x1x32xf32>
    %squeeze3A_5 = vector.shape_cast %slice3A_4 : vector<4096x1x32xf32> to vector<4096x32xf32>
    %swap3A_6 = arith.constant 0 : index
    %swap3A_7 = arith.constant 32 : index
    %swap3A_8 = vector.load %arg2[%swap3A_6, %swap3A_7] : memref<4096x128xf32, #tpu.memory_space<vmem>>, vector<4096x32xf32>
    tpu.vector_store %arg2[%swap3A_6, %swap3A_7], %squeeze3A_5 {strides = array<i32>} : memref<4096x128xf32, #tpu.memory_space<vmem>>, vector<4096x32xf32>,
    %slice3A_9 = vector.extract_strided_slice %reshape3A {offsets = [0, 2, 0], sizes = [4096, 1, 32], strides = [1, 1, 1]} : vector<4096x4x32xf32> to vector<4096x1x32xf32>
    %squeeze3A_10 = vector.shape_cast %slice3A_9 : vector<4096x1x32xf32> to vector<4096x32xf32>
    %swap3A_11 = arith.constant 0 : index
    %swap3A_12 = arith.constant 64 : index
    %swap3A_13 = vector.load %arg2[%swap3A_11, %swap3A_12] : memref<4096x128xf32, #tpu.memory_space<vmem>>, vector<4096x32xf32>
    tpu.vector_store %arg2[%swap3A_11, %swap3A_12], %squeeze3A_10 {strides = array<i32>} : memref<4096x128xf32, #tpu.memory_space<vmem>>, vector<4096x32xf32>,
    %slice3A_14 = vector.extract_strided_slice %reshape3A {offsets = [0, 3, 0], sizes = [4096, 1, 32], strides = [1, 1, 1]} : vector<4096x4x32xf32> to vector<4096x1x32xf32>
    %squeeze3A_15 = vector.shape_cast %slice3A_14 : vector<4096x1x32xf32> to vector<4096x32xf32>
    %swap3A_16 = arith.constant 0 : index
    %swap3A_17 = arith.constant 96 : index
    %swap3A_18 = vector.load %arg2[%swap3A_16, %swap3A_17] : memref<4096x128xf32, #tpu.memory_space<vmem>>, vector<4096x32xf32>
    tpu.vector_store %arg2[%swap3A_16, %swap3A_17], %squeeze3A_15 {strides = array<i32>} : memref<4096x128xf32, #tpu.memory_space<vmem>>, vector<4096x32xf32>,
    return
  }
  func.func @transform_0(%arg0: i32) -> (i32, i32) {
    %c0_i32 = arith.constant 0 : i32
    %c0_i32_0 = arith.constant 0 : i32
    return %c0_i32, %arg0 : i32, i32
  }
  func.func @transform_1(%arg0: i32) -> (i32, i32) {
    %c0_i32 = arith.constant 0 : i32
    %c0_i32_0 = arith.constant 0 : i32
    return %arg0, %c0_i32 : i32, i32
  }
}

</mosaic_0001>

<sc_bundles>
// kernel: kernel.4.cloned.1.call-start
scs
__scs_entry_jumppad:
0x0: {  	(pc) =	sbr.rel $0x88, $3  }
0x1: {  	(tag) =	ssettag $0x0;
	lr =	simm.s32 $0x1  }
0x2: {  	[smem:$0x3F9F] =	sst lr;
	_ =	strace $0xD0000000  }
0x3: {  	_ = 	snop  }
0x4: {  	_ = 	snop  }
0x5: {  	_ = 	snop  }
0x6: {  	_ = 	snop  }
0x7: {  	_ = 	snop  }
__scs_overlays_trampoline_lowered:
0x8: {  	[smem:$0x3FAE] =	sst s0  }
0x9: {  	[smem:$0x3FAF] =	sst s1  }
0xa: {  	[smem:$0x3FB0] =	sst s2  }
0xb: {  	[smem:$0x3FB1] =	sst s3  }
0xc: {  	[smem:$0x3FB2] =	sst s4  }
0xd: {  	[smem:$0x3FB3] =	sst s5  }
0xe: {  	[smem:$0x3FB4] =	sst s6  }
0xf: {  	[smem:$0x3FB5] =	sst s7  }
0x10: {  	[smem:$0x3FB6] =	sst s8  }
0x11: {  	[smem:$0x3FB7] =	sst s9;
	s0 =	simm.s32 @!p0 $0x0  }
0x12: {  	s1 =	sld [smem:$0x3F9D];
	s0 =	simm.s32 @p0 $0x1  }
0x13: {  	[smem:$0x3FB8] =	sst s0;
	s0 =	simm.s32 @!p1 $0x0  }
0x14: {  	s2 =	sld [smem:$0x3F9C];
	s0 =	simm.s32 @p1 $0x1  }
0x15: {  	[smem:$0x3FB9] =	sst s0;
	s0 =	simm.s32 @!p2 $0x0  }
0x16: {  	s3 =	sld [smem:$0x3FDB];
	s0 =	simm.s32 @p2 $0x1  }
0x17: {  	s4 =	simm.s32 $0x1BF5;
	[smem:$0x3FBB] =	sst s0  }
0x18: {  	s0 =	sld [smem:$0x3F9E];
	_ =	swait.ge [sflag:s4], $0x0  }
0x19: {  	s7 =	sld [smem:$0x3F9F]  }
0x1a: {  	s8 =	sadd.s32 $0xFFFFE003, lr  }
0x1b: {  	s9 =	sadd.s32 $0xFFFFFEF7, lr;
	s5 =	simm.s32 $0xFFFFFFFF;
	p2 =	slt.u32 s8, $0xFFFFF086  }
0x1c: {  	p1 =	slt.u32 s9, $0xF7A;
	s5 =	simm.s32 @!p2 $0x0  }
0x1d: {  	s5 =	simm.s32 @p1 $0x1;
	p0 =	seq.s32 s7, s2  }
0x1e: {  	s7 =	smul.u32 @!p0 $0xF7A, s2;
	p2 =	seq.s32 @!p0 s5, $0x0  }
0x1f: {  	s9 =	smul.u32 $0xF7A, s1;
	s8 =	simm.s32 @!p0 $0x1BF5;
	p2 =	por !p2, p0  }
0x20: {  	[sflag:s8] =	ssyncset.s32 @!p0 $0xFFFFF086;
	s6 =	sadd.s32 @!p0 s3, s7;
	s7 =	simm.s32 @!p0 $0x108  }
0x21: {  	s3 =	sadd.s32 s3, s9;
	s6 =	sadd.s32 @!p0 $0x88, s6;
	s7 =	simm.s32 @p2 $0x1082  }
0x22: {  	[simem:s7], [sflag:s8] =	dma.local @!p0 [hbm:s6], $0xF7A  }
0x23: {  	s9 =	sor.u32 $0xD0000000, s2;
	s6 =	simm.s32 $0x108;
	_ =	swait.ge @!p0 [sflag:s8], $0x0  }
0x24: {  	s3 =	sadd.s32 $0x88, s3;
	s6 =	simm.s32 @!p1 $0x1082;
	[sflag:s4] =	ssyncset.s32 $0xFFFFF086  }
0x25: {  	[simem:s6], [sflag:s4] =	dma.local [hbm:s3], $0xF7A  }
0x26: {  	[smem:$0x3F9F] =	sst s1;
	(tag) =	ssettag s2;
	_ =	strace s9  }
0x27: {  	s1 =	sld [smem:$0x3FAF]  }
0x28: {  	s2 =	sld [smem:$0x3FB0]  }
0x29: {  	s4 =	sld [smem:$0x3FB2]  }
0x2a: {  	p0 =	seq.s32 s5, $0x0;
	s5 =	sld [smem:$0x3FB3]  }
0x2b: {  	s6 =	sld [smem:$0x3FB4]  }
0x2c: {  	s7 =	sld [smem:$0x3FB5]  }
0x2d: {  	s3 =	simm.s32 $0x108;
	s8 =	sld [smem:$0x3FB6]  }
0x2e: {  	s3 =	simm.s32 @!p0 $0x1082;
	s9 =	sld [smem:$0x3FB7]  }
0x2f: {  	lr =	sadd.s32 s0, s3;
	s0 =	sld [smem:$0x3FAE]  }
0x30: {  	s3 =	sld [smem:$0x3FB1]  }
0x31: {  	[smem:$0x3FBA] =	sst s10  }
0x32: {  	s10 =	sld [smem:$0x3FB8];
	_ =	sdelay $0x3  }
0x33: {  	p0 =	seq.s32 s10, $0x1;
	s10 =	sld [smem:$0x3FBA];
	_ =	sdelay $0x3  }
0x34: {  	[smem:$0x3FBA] =	sst s10  }
0x35: {  	s10 =	sld [smem:$0x3FB9];
	_ =	sdelay $0x3  }
0x36: {  	p1 =	seq.s32 s10, $0x1;
	s10 =	sld [smem:$0x3FBA];
	_ =	sdelay $0x3  }
0x37: {  	[smem:$0x3FBA] =	sst s10  }
0x38: {  	s10 =	sld [smem:$0x3FBB]  }
0x39: {  	_ = 	snop;
	(pc) =	sbr.ind lr, $3  }
0x3a: {  	_ = 	snop  }
0x3b: {  	_ = 	snop  }
0x3c: {  	p2 =	seq.s32 s10, $0x1;
	s10 =	sld [smem:$0x3FBA]  }
0x3d: {  	_ =	shalt  }
0x3e: {  	_ =	shalt  }
0x3f: {  	_ =	shalt  }
0x40: {  	_ =	shalt  }
0x41: {  	_ =	shalt  }
0x42: {  	_ =	shalt  }
0x43: {  	_ =	shalt  }
0x44: {  	_ =	shalt  }
0x45: {  	_ =	shalt  }
0x46: {  	_ =	shalt  }
0x47: {  	_ =	shalt  }
0x48: {  	_ =	shalt  }
0x49: {  	_ =	shalt  }
0x4a: {  	_ =	shalt  }
0x4b: {  	_ =	shalt  }
0x4c: {  	_ =	shalt  }
0x4d: {  	_ =	shalt  }
0x4e: {  	_ =	shalt  }
0x4f: {  	_ =	shalt  }
0x50: {  	_ =	shalt  }
0x51: {  	_ =	shalt  }
0x52: {  	_ =	shalt  }
0x53: {  	_ =	shalt  }
0x54: {  	_ =	shalt  }
0x55: {  	_ =	shalt  }
0x56: {  	_ =	shalt  }
0x57: {  	_ =	shalt  }
0x58: {  	_ =	shalt  }
0x59: {  	_ =	shalt  }
0x5a: {  	_ =	shalt  }
0x5b: {  	_ =	shalt  }
0x5c: {  	_ =	shalt  }
0x5d: {  	_ =	shalt  }
0x5e: {  	_ =	shalt  }
0x5f: {  	_ =	shalt  }
0x60: {  	_ =	shalt  }
0x61: {  	_ =	shalt  }
0x62: {  	_ =	shalt  }
0x63: {  	_ =	shalt  }
0x64: {  	_ =	shalt  }
0x65: {  	_ =	shalt  }
0x66: {  	_ =	shalt  }
0x67: {  	_ =	shalt  }
0x68: {  	_ =	shalt  }
0x69: {  	_ =	shalt  }
0x6a: {  	_ =	shalt  }
0x6b: {  	_ =	shalt  }
0x6c: {  	_ =	shalt  }
0x6d: {  	_ =	shalt  }
0x6e: {  	_ =	shalt  }
0x6f: {  	_ =	shalt  }
0x70: {  	_ =	shalt  }
0x71: {  	_ =	shalt  }
0x72: {  	_ =	shalt  }
0x73: {  	_ =	shalt  }
0x74: {  	_ =	shalt  }
0x75: {  	_ =	shalt  }
0x76: {  	_ =	shalt  }
0x77: {  	_ =	shalt  }
0x78: {  	_ =	shalt  }
0x79: {  	_ =	shalt  }
0x7a: {  	_ =	shalt  }
0x7b: {  	_ =	shalt  }
0x7c: {  	_ =	shalt  }
0x7d: {  	_ =	shalt  }
0x7e: {  	_ =	shalt  }
0x7f: {  	_ =	shalt  }
0x80: {  	_ =	shalt  }
0x81: {  	_ =	shalt  }
0x82: {  	_ =	shalt  }
0x83: {  	_ =	shalt  }
0x84: {  	_ =	shalt  }
0x85: {  	_ =	shalt  }
0x86: {  	_ =	shalt  }
0x87: {  	_ =	shalt  }
.Lfunc_end0:
.L_simem_size_0:
called_computation_lowered:
.L_overlay_start_0:
0x88: {  	s2 =	sld [smem:$0x3FD9]  }
0x89: {  	s3 =	sld [smem:$0x3FFE];
	_ =	sdelay $0x1  }
0x8a: {  	s1 =	srdreg.scid  }
0x8b: {  	s0 =	sand.u32 $0x1, s1  }
0x8c: {  	s17 =	sshll.u32 s0, $0xA;
	s2 =	sadd.s32 s3, s2  }
0x8d: {  	s2 =	sadd.s32 s2, s17  }
0x8e: {  	[smem:$0x3FC6] =	sst s2  }
0x8f: {  	_ = 	snop  }
0x90: {  	s2 =	sld [smem:$0x3FD0];
	(tm) =	ssettm $0x1  }
0x91: {  	s18 =	sld [smem:$0x3FFB];
	_ =	sdelay $0x3  }
0x92: {  	_ =	strace s18  }
0x93: {  	s3 =	sld [smem:$0x3FFC];
	_ =	sdelay $0x3  }
0x94: {  	_ =	strace s3  }
0x95: {  	s3 =	sld [smem:$0x3FFD];
	_ =	sdelay $0x3  }
0x96: {  	_ =	strace s3  }
0x97: {  	_ =	strace $0x8FFFFFFF  }
0x98: {  	s19 =	sld [smem:$0x3FDB];
	_ =	sdelay $0x1  }
0x99: {  	s4 =	simm.s32 $_scs_section_size  }
0x9a: {  	s5 =	simm.s32 $_size__tile_overlayer_lowered;
	s6 =	simm.s32 $_tile_overlayer_lowered  }
0x9b: {  	s22 =	simm.s32 $0x1BFF;
	s21 =	sshll.u32 s6, $0x1;
	s3 =	sadd.s32 s4, s19  }
0x9c: {  	s7 =	simm.s32 $0x0;
	s20 =	sshll.u32 s5, $0x1;
	s5 =	sadd.s32 s21, s3  }
0x9d: {  	[timem:s7], [sflag:s22] =	dma.local [hbm:s5], s20  }
0x9e: {  	_ =	swait.ge [sflag:s22], s20  }
0x9f: {  	s4 =	ssub.s32 $0x0, s20;
	[sflag:s22] =	ssyncset.done $0x0  }
0xa0: {  	[sflag:s22] =	ssyncadd.s32 s4;
	_ =	sdelay $0x1  }
0xa1: {  	s23 =	simm.s32 $0x1B8B  }
0xa2: {  	_ =	swait.ge [sflag:s23], $0x1  }
0xa3: {  	[sflag:s23] =	ssyncset.done $0x0  }
0xa4: {  	s25 =	simm.s32 $0x1B8E;
	s24 =	sld [smem:$0x3FFE];
	[sflag:s23] =	ssyncadd.s32 $0xFFFFFFFF  }
0xa5: {  	s26 =	simm.s32 $execute0_lowered;
	[smem:$0x3FD2] =	sst s25  }
0xa6: {  	s5 =	sshll.u32 s26, $0x1;
	_ =	strace $0x80000046;
	[dreg:$0x1] =	wrdreg $0xFFFFFFFF  }
0xa7: {  	s28 =	simm.s32 $_size_execute0_lowered;
	s3 =	sadd.s32 s3, s5;
	[dreg:$0x0] =	wrdreg $0x0  }
0xa8: {  	s5 =	sshll.u32 s28, $0x1;
	[dreg:$0x2] =	wrdreg s3  }
0xa9: {  	[dreg:$0x3] =	wrdreg s5  }
0xaa: {  	[dreg:$0x4] =	wrdreg $0xC0  }
0xab: {  	_ =	task [dreg:s7], $0x5FFFF  }
0xac: {  	[dreg:$0x1] =	wrdreg $0xFFFFFFFF  }
0xad: {  	[dreg:$0x0] =	wrdreg $0x60  }
0xae: {  	[dreg:$0x2] =	wrdreg s24  }
0xaf: {  	[dreg:$0x3] =	wrdreg s2  }
0xb0: {  	[dreg:$0x4] =	wrdreg $0x9  }
0xb1: {  	_ =	task.clear_ibuf [dreg:s7], $0x5FFFF;
	_ =	strace $0x90000046  }
0xb2: {  	s29 =	simm.s32 $0x9;
	_ =	strace $0x80000048  }
0xb3: {  	_ =	swait.ge [sflag:s29], $0x1  }
0xb4: {  	[sflag:s29] =	ssyncadd.s32 $0xFFFFFFFF  }
0xb5: {  	_ =	strace $0x90000048  }
0xb6: {  	_ =	sfence  }
0xb7: {  	s30 =	sld [smem:$0x0];
	_ =	sdelay $0x2  }
0xb8: {  	s31 =	sshll.u32 s1, $0xD;
	s1 =	sshrl.u32 s1, $0x2  }
0xb9: {  	s3 =	sand.u32 $0x4000, s31;
	s1 =	sadd.s32 s1, s30  }
0xba: {  	s0 =	sor.u32 s3, s0;
	s1 =	sshll.u32 s1, $0x11  }
0xbb: {  	s0 =	sor.u32 s1, s0  }
0xbc: {  	s0 =	sadd.s32 $0x8F2B, s0  }
0xbd: {  	[sflag:s0] =	ssyncadd.remote.s32 $0x1  }
0xbe: {  	_ =	sfence.sel $0xFFFF  }
0xbf: {  	[dreg:$0x0] =	wrdreg $0xFFFFFFFF;
	(pc) =	sbr.abs _section_cstart, $3  }
0xc0: {  	[dreg:$0x1] =	wrdreg $0xFFFFFFFF  }
0xc1: {  	_ =	task.clear_ibuf [dreg:s7], $0x2FFFF;
	_ =	strace $0x9FFFFFFF  }
0xc2: {  	(tm) =	ssettm $0x7FFFFFFF  }
0xc3: {  	_ =	shalt  }
tec
execute0_lowered:
.L_overlay_start_1:
0x0: {  	(tag) =	ssettag $0x1  }
0x1: {  	s0 =	rddreg [dreg:$0x0];
	s1 =	simm.s32 $0x0  }
0x2: {  	s26 =	srdreg.scid;
	s5 =	stileid.u32;
	s8 =	simm.s32 $0x5  }
0x3: {  	s9 =	simm.s32 $0x80;
	s11 =	simm.s32 $0x48;
	s13 =	simm.s32 $0xC8  }
0x4: {  	s14 =	simm.s32 $0x3200;
	s15 =	simm.s32 $0x148;
	s16 =	simm.s32 $0x4200  }
0x5: {  	s17 =	simm.s32 $0x190;
	s18 =	simm.s32 $0x4B00;
	s19 =	simm.s32 $0x210  }
0x6: {  	s20 =	simm.s32 $0x5B00;
	s21 =	simm.s32 $0x258;
	s22 =	simm.s32 $0x6400  }
0x7: {  	s23 =	simm.s32 $0x2D8;
	s24 =	simm.s32 $0x7400;
	s25 =	simm.s32 $0x1  }
0x8: {  	s28 =	simm.s32 $0x3;
	[smem:$0x7FF] =	sst s1;
	s1 =	sand.u32 $0x1, s26  }
0x9: {  	s29 =	simm.s32 $0x4;
	s30 =	simm.s32 $0x7D00;
	s2 =	ssub.s32 $0x2, s1  }
0xa: {  	s4 =	sadd.s32 $0x400, s0;
	s6 =	sshll.u32 s5, $0xA;
	s3 =	sshrl.u32 s2, $0x1  }
0xb: {  	s5 =	sadd.s32 $0x64400, s0;
	s26 =	simm.s32 $0x2;
	s31 =	ssub.s32 s2, s3  }
0xc: {  	_ =	strace $0x80000047;
	s1 =	sshll.u32 s1, $0x9;
	s0 =	smax.u32 s31, $0x1  }
0xd: {  	s6 =	sor.u32 s1, s6;
	s1 =	simm.s32 $0x0;
	[dreg:$0x3] =	wrdreg s0  }
.LBB2_1:
0xe: {  	[dreg:$0x4] =	wrdreg s1;
	s0 =	simm.s32 $0x0  }
.LBB2_2:
0xf: {  	s1 =	sshll.u32 s0, $0x5  }
0x10: {  	s3 =	sadd.s32 s6, s1  }
0x11: {  	s1 =	smul.u32 $0x19, s3;
	_ =	sdelay $0x1  }
0x12: {  	s7 =	simm.s32 $0x0;
	s1 =	sadd.s32 s4, s1  }
0x13: {  	[tilespmem:s7], [sflag:$0x5] =	stream.linear.gather [hbm4b:s1+s7], $0x1900, $0x38;
	[tilespmem:$0x8100] =	vst v63  }
0x14: {  	_ =	swait.ge [sflag:s8], $0x1900  }
0x15: {  	[sflag:s8] =	ssyncset.done $0x0  }
0x16: {  	s12 =	simm.s32 $0x1900;
	[sflag:s8] =	ssyncadd.s32 $0xFFFFE700  }
0x17: {  	[tilespmem:s12], [sflag:$0x1] =	stream.indirect.gather [hbm4b:s5+s9], $0x20, s7, s9, $0xb8;
	[tilespmem:$0x8100] =	vst v63  }
0x18: {  	s31 =	simm.s32 $0x2900  }
0x19: {  	[tilespmem:s31], [sflag:$0x1] =	stream.indirect.gather [hbm4b:s5+s11], $0x20, s9, s11, $0xb8;
	[tilespmem:$0x8100] =	vst v63  }
0x1a: {  	_ = 	snop  }
0x1b: {  	[tilespmem:s14], [sflag:$0x2] =	stream.indirect.gather [hbm4b:s5+s9], $0x20, s13, s9, $0xb8;
	[tilespmem:$0x8100] =	vst v63  }
0x1c: {  	_ = 	snop  }
0x1d: {  	[tilespmem:s16], [sflag:$0x2] =	stream.indirect.gather [hbm4b:s5+s11], $0x20, s15, s11, $0xb8;
	[tilespmem:$0x8100] =	vst v63  }
0x1e: {  	_ = 	snop  }
0x1f: {  	[tilespmem:s18], [sflag:$0x3] =	stream.indirect.gather [hbm4b:s5+s9], $0x20, s17, s9, $0xb8;
	[tilespmem:$0x8100] =	vst v63  }
0x20: {  	_ = 	snop  }
0x21: {  	[tilespmem:s20], [sflag:$0x3] =	stream.indirect.gather [hbm4b:s5+s11], $0x20, s19, s11, $0xb8;
	[tilespmem:$0x8100] =	vst v63  }
0x22: {  	_ = 	snop  }
0x23: {  	[tilespmem:s22], [sflag:$0x4] =	stream.indirect.gather [hbm4b:s5+s9], $0x20, s21, s9, $0xb8;
	[tilespmem:$0x8100] =	vst v63  }
0x24: {  	_ = 	snop  }
0x25: {  	[tilespmem:s24], [sflag:$0x4] =	stream.indirect.gather [hbm4b:s5+s11], $0x20, s23, s11, $0xb8;
	[tilespmem:$0x8100] =	vst v63  }
.LBB2_3:
0x26: {  	_ =	swait.ge [sflag:s25], $0x1000  }
0x27: {  	p0 =	seq.s32 s7, $0x7;
	[sflag:s25] =	ssyncset.done $0x0  }
0x28: {  	s1 =	smul.u32 @!p0 $0xC80, s7;
	[sflag:s25] =	ssyncadd.s32 $0xFFFFF000  }
0x29: {  	_ =	swait.ge [sflag:s25], $0x900  }
0x2a: {  	s2 =	simm.s32 @!p0 $0x80;
	s31 =	sshra.s32 @!p0 s1, $0x2;
	[sflag:s25] =	ssyncset.done $0x0  }
0x2b: {  	s10 =	simm.s32 @!p0 $0x1900;
	s1 =	sadd.s32 @!p0 $0x320, s31;
	[sflag:s25] =	ssyncadd.s32 $0xFFFFF700  }
0x2c: {  	[tilespmem:s10], [sflag:$0x1] =	stream.indirect.gather @!p0 [hbm4b:s5+s2], $0x20, s1, s2, $0xb8;
	[tilespmem:$0x8100] =	vst v63  }
0x2d: {  	s1 =	sadd.s32 @!p0 $0x3A0, s31;
	s2 =	simm.s32 @!p0 $0x48;
	s10 =	simm.s32 @!p0 $0x2900  }
0x2e: {  	[tilespmem:s10], [sflag:$0x1] =	stream.indirect.gather @!p0 [hbm4b:s5+s2], $0x20, s1, s2, $0xb8;
	[tilespmem:$0x8100] =	vst v63  }
0x2f: {  	s1 =	simm.s32 $0x0  }
0x30: {  	v2 =	vld [tilespmem:s1+$0x1980]  }
0x31: {  	v4 =	vld [tilespmem:s1+$0x1990]  }
0x32: {  	v3 =	vld [tilespmem:s1+$0x19A0]  }
0x33: {  	v5 =	vld [tilespmem:s1+$0x19B0]  }
0x34: {  	v0 =	vld [tilespmem:s1+$0x19C0]  }
0x35: {  	v1 =	vld [tilespmem:s1+$0x19D0]  }
0x36: {  	v18 =	vld [tilespmem:s1+$0x1900]  }
0x37: {  	v20 =	vld [tilespmem:s1+$0x1910]  }
0x38: {  	v17 =	vld [tilespmem:s1+$0x1920]  }
0x39: {  	v19 =	vld [tilespmem:s1+$0x1930]  }
0x3a: {  	v10 =	vimm.f32 $0.0e+00;
	v11 =	vimm.f32 $0.0e+00;
	v14 =	vld [tilespmem:s1+$0x1940]  }
0x3b: {  	v12 =	vimm.f32 $0.0e+00;
	v13 =	vimm.f32 $0.0e+00;
	v6 =	vimm.f32 $0.0e+00;
	v15 =	vld [tilespmem:s1+$0x1950]  }
0x3c: {  	v7 =	vimm.f32 $0.0e+00;
	v9 =	vimm.f32 $0.0e+00;
	v8 =	vimm.f32 $0.0e+00;
	s2 =	simm.s32 $0x400;
	v16 =	vld [tilespmem:s1+$0x1960]  }
.LBB2_4:
0x3d: {  	p1 =	sne.s32 s2, $0x6000;
	v10 =	vadd.f32 v18, v10;
	v11 =	vadd.f32 v20, v11;
	v18 =	vld [tilespmem:s1+$0x1970]  }
0x3e: {  	v12 =	vadd.f32 v17, v12;
	v13 =	vadd.f32 v19, v13;
	v17 =	vld [tilespmem:s1+$0x19E0]  }
0x3f: {  	v10 =	vadd.f32 v2, v10;
	v11 =	vadd.f32 v4, v11;
	v19 =	vld [tilespmem:s1+$0x19F0];
	s1 =	sshra.s32 s2, $0x2  }
0x40: {  	v12 =	vadd.f32 v3, v12;
	v2 =	vld [tilespmem:s1+$0x1980];
	v13 =	vadd.f32 v5, v13  }
0x41: {  	v6 =	vadd.f32 v14, v6;
	v7 =	vadd.f32 v15, v7;
	v4 =	vld [tilespmem:s1+$0x1990]  }
0x42: {  	v9 =	vadd.f32 v16, v9;
	v3 =	vld [tilespmem:s1+$0x19A0];
	v8 =	vadd.f32 v18, v8  }
0x43: {  	v6 =	vadd.f32 v0, v6;
	v7 =	vadd.f32 v1, v7;
	v5 =	vld [tilespmem:s1+$0x19B0]  }
0x44: {  	v9 =	vadd.f32 v17, v9;
	v0 =	vld [tilespmem:s1+$0x19C0];
	v8 =	vadd.f32 v19, v8  }
0x45: {  	v1 =	vld [tilespmem:s1+$0x19D0]  }
0x46: {  	v18 =	vld [tilespmem:s1+$0x1900]  }
0x47: {  	v20 =	vld [tilespmem:s1+$0x1910]  }
.Ltmp0:
0x48: {  	v17 =	vld [tilespmem:s1+$0x1920];
	(pc) =	sbr.rel @p1 .LBB2_4-.Ltmp0, $4  }
0x49: {  	v19 =	vld [tilespmem:s1+$0x1930]  }
0x4a: {  	v14 =	vld [tilespmem:s1+$0x1940]  }
0x4b: {  	v15 =	vld [tilespmem:s1+$0x1950]  }
0x4c: {  	s2 =	sadd.s32 $0x400, s2;
	v16 =	vld [tilespmem:s1+$0x1960]  }
0x4d: {  	v10 =	vadd.f32 v18, v10;
	v11 =	vadd.f32 v20, v11;
	v18 =	vld [tilespmem:s1+$0x1970]  }
0x4e: {  	v12 =	vadd.f32 v17, v12;
	v17 =	vld [tilespmem:s1+$0x19E0];
	v13 =	vadd.f32 v19, v13  }
0x4f: {  	v2 =	vadd.f32 v2, v10;
	v4 =	vadd.f32 v4, v11;
	v10 =	vld [tilespmem:s1+$0x19F0]  }
0x50: {  	v3 =	vadd.f32 v3, v12;
	v6 =	vadd.f32 v14, v6  }
0x51: {  	v5 =	vadd.f32 v5, v13;
	v9 =	vadd.f32 v16, v9  }
0x52: {  	v7 =	vadd.f32 v15, v7;
	v8 =	vadd.f32 v18, v8  }
0x53: {  	v0 =	vadd.f32 v0, v6;
	v6 =	vadd.f32 v17, v9  }
0x54: {  	v1 =	vadd.f32 v1, v7;
	v7 =	vadd.f32 v10, v8  }
0x55: {  	v2 =	vadd.f32 v3, v2;
	v0 =	vadd.f32 v6, v0  }
0x56: {  	v3 =	vadd.f32 v5, v4;
	v1 =	vadd.f32 v7, v1  }
0x57: {  	v0 =	vadd.f32 v0, v2  }
0x58: {  	v1 =	vadd.f32 v1, v3  }
0x59: {  	s12 =	sshll.u32 s7, $0x7;
	v0 =	vmul.f32 $4.999999890e-03, v0  }
0x5a: {  	s1 =	sand.u32 $0x3FFFFF80, s12;
	v1 =	vmul.f32 $4.999999890e-03, v1  }
0x5b: {  	[tilespmem:s1+$0x7D00] =	vst v0  }
0x5c: {  	[tilespmem:s1+$0x7D10] =	vst v1  }
0x5d: {  	_ =	swait.ge [sflag:s26], $0x1000  }
0x5e: {  	[sflag:s26] =	ssyncset.done $0x0  }
0x5f: {  	[sflag:s26] =	ssyncadd.s32 $0xFFFFF000  }
0x60: {  	_ =	swait.ge [sflag:s26], $0x900  }
0x61: {  	s2 =	sadd.s32 @!p0 $0x3E8, s31;
	[sflag:s26] =	ssyncset.done $0x0  }
0x62: {  	s10 =	simm.s32 @!p0 $0x80;
	s12 =	simm.s32 @!p0 $0x3200;
	[sflag:s26] =	ssyncadd.s32 $0xFFFFF700  }
0x63: {  	[tilespmem:s12], [sflag:$0x2] =	stream.indirect.gather @!p0 [hbm4b:s5+s10], $0x20, s2, s10, $0xb8;
	[tilespmem:$0x8100] =	vst v63  }
0x64: {  	s2 =	sadd.s32 @!p0 $0x468, s31;
	s10 =	simm.s32 @!p0 $0x48;
	s12 =	simm.s32 @!p0 $0x4200  }
0x65: {  	[tilespmem:s12], [sflag:$0x2] =	stream.indirect.gather @!p0 [hbm4b:s5+s10], $0x20, s2, s10, $0xb8;
	[tilespmem:$0x8100] =	vst v63  }
0x66: {  	s2 =	simm.s32 $0x0  }
0x67: {  	v2 =	vld [tilespmem:s2+$0x3280]  }
0x68: {  	v4 =	vld [tilespmem:s2+$0x3290]  }
0x69: {  	v3 =	vld [tilespmem:s2+$0x32A0]  }
0x6a: {  	v5 =	vld [tilespmem:s2+$0x32B0]  }
0x6b: {  	v0 =	vld [tilespmem:s2+$0x32C0]  }
0x6c: {  	v1 =	vld [tilespmem:s2+$0x32D0]  }
0x6d: {  	v18 =	vld [tilespmem:s2+$0x3200]  }
0x6e: {  	v20 =	vld [tilespmem:s2+$0x3210]  }
0x6f: {  	v17 =	vld [tilespmem:s2+$0x3220]  }
0x70: {  	v19 =	vld [tilespmem:s2+$0x3230]  }
0x71: {  	v11 =	vimm.f32 $0.0e+00;
	v12 =	vimm.f32 $0.0e+00;
	v14 =	vld [tilespmem:s2+$0x3240]  }
0x72: {  	v13 =	vimm.f32 $0.0e+00;
	v9 =	vimm.f32 $0.0e+00;
	v10 =	vimm.f32 $0.0e+00;
	v15 =	vld [tilespmem:s2+$0x3250]  }
0x73: {  	v8 =	vimm.f32 $0.0e+00;
	v6 =	vimm.f32 $0.0e+00;
	v7 =	vimm.f32 $0.0e+00;
	s10 =	simm.s32 $0x400;
	v16 =	vld [tilespmem:s2+$0x3260]  }
.LBB2_6:
0x74: {  	p1 =	sne.s32 s10, $0x6000;
	v10 =	vadd.f32 v18, v10;
	v11 =	vadd.f32 v20, v11;
	v18 =	vld [tilespmem:s2+$0x3270]  }
0x75: {  	v12 =	vadd.f32 v17, v12;
	v13 =	vadd.f32 v19, v13;
	v17 =	vld [tilespmem:s2+$0x32E0]  }
0x76: {  	v10 =	vadd.f32 v2, v10;
	v11 =	vadd.f32 v4, v11;
	v19 =	vld [tilespmem:s2+$0x32F0];
	s2 =	sshra.s32 s10, $0x2  }
0x77: {  	v12 =	vadd.f32 v3, v12;
	v2 =	vld [tilespmem:s2+$0x3280];
	v13 =	vadd.f32 v5, v13  }
0x78: {  	v6 =	vadd.f32 v14, v6;
	v7 =	vadd.f32 v15, v7;
	v4 =	vld [tilespmem:s2+$0x3290]  }
0x79: {  	v9 =	vadd.f32 v16, v9;
	v3 =	vld [tilespmem:s2+$0x32A0];
	v8 =	vadd.f32 v18, v8  }
0x7a: {  	v6 =	vadd.f32 v0, v6;
	v7 =	vadd.f32 v1, v7;
	v5 =	vld [tilespmem:s2+$0x32B0]  }
0x7b: {  	v9 =	vadd.f32 v17, v9;
	v0 =	vld [tilespmem:s2+$0x32C0];
	v8 =	vadd.f32 v19, v8  }
0x7c: {  	v1 =	vld [tilespmem:s2+$0x32D0]  }
0x7d: {  	v18 =	vld [tilespmem:s2+$0x3200]  }
0x7e: {  	v20 =	vld [tilespmem:s2+$0x3210]  }
.Ltmp1:
0x7f: {  	v17 =	vld [tilespmem:s2+$0x3220];
	(pc) =	sbr.rel @p1 .LBB2_6-.Ltmp1, $4  }
0x80: {  	v19 =	vld [tilespmem:s2+$0x3230]  }
0x81: {  	v14 =	vld [tilespmem:s2+$0x3240]  }
0x82: {  	v15 =	vld [tilespmem:s2+$0x3250]  }
0x83: {  	s10 =	sadd.s32 $0x400, s10;
	v16 =	vld [tilespmem:s2+$0x3260]  }
0x84: {  	v10 =	vadd.f32 v18, v10;
	v11 =	vadd.f32 v20, v11;
	v18 =	vld [tilespmem:s2+$0x3270]  }
0x85: {  	v12 =	vadd.f32 v17, v12;
	v17 =	vld [tilespmem:s2+$0x32E0];
	v13 =	vadd.f32 v19, v13  }
0x86: {  	v2 =	vadd.f32 v2, v10;
	v4 =	vadd.f32 v4, v11;
	v10 =	vld [tilespmem:s2+$0x32F0]  }
0x87: {  	v3 =	vadd.f32 v3, v12;
	v6 =	vadd.f32 v14, v6  }
0x88: {  	v5 =	vadd.f32 v5, v13;
	v9 =	vadd.f32 v16, v9  }
0x89: {  	v7 =	vadd.f32 v15, v7;
	v8 =	vadd.f32 v18, v8  }
0x8a: {  	v0 =	vadd.f32 v0, v6;
	v6 =	vadd.f32 v17, v9  }
0x8b: {  	v1 =	vadd.f32 v1, v7;
	v7 =	vadd.f32 v10, v8  }
0x8c: {  	v2 =	vadd.f32 v3, v2;
	v0 =	vadd.f32 v6, v0  }
0x8d: {  	v3 =	vadd.f32 v5, v4;
	v1 =	vadd.f32 v7, v1  }
0x8e: {  	v0 =	vadd.f32 v0, v2  }
0x8f: {  	v1 =	vadd.f32 v1, v3  }
0x90: {  	v0 =	vmul.f32 $4.999999890e-03, v0  }
0x91: {  	v1 =	vmul.f32 $4.999999890e-03, v1  }
0x92: {  	[tilespmem:s1+$0x7D20] =	vst v0  }
0x93: {  	[tilespmem:s1+$0x7D30] =	vst v1  }
0x94: {  	_ =	swait.ge [sflag:s28], $0x1000  }
0x95: {  	[sflag:s28] =	ssyncset.done $0x0  }
0x96: {  	[sflag:s28] =	ssyncadd.s32 $0xFFFFF000  }
0x97: {  	_ =	swait.ge [sflag:s28], $0x900  }
0x98: {  	s10 =	simm.s32 @!p0 $0x80;
	[sflag:s28] =	ssyncset.done $0x0  }
0x99: {  	s12 =	simm.s32 @!p0 $0x4B00;
	s2 =	sadd.s32 @!p0 $0x4B0, s31;
	[sflag:s28] =	ssyncadd.s32 $0xFFFFF700  }
0x9a: {  	[tilespmem:s12], [sflag:$0x3] =	stream.indirect.gather @!p0 [hbm4b:s5+s10], $0x20, s2, s10, $0xb8;
	[tilespmem:$0x8100] =	vst v63  }
0x9b: {  	s2 =	sadd.s32 @!p0 $0x530, s31;
	s10 =	simm.s32 @!p0 $0x48;
	s12 =	simm.s32 @!p0 $0x5B00  }
0x9c: {  	[tilespmem:s12], [sflag:$0x3] =	stream.indirect.gather @!p0 [hbm4b:s5+s10], $0x20, s2, s10, $0xb8;
	[tilespmem:$0x8100] =	vst v63  }
0x9d: {  	s2 =	simm.s32 $0x0  }
0x9e: {  	v2 =	vld [tilespmem:s2+$0x4B80]  }
0x9f: {  	v4 =	vld [tilespmem:s2+$0x4B90]  }
0xa0: {  	v3 =	vld [tilespmem:s2+$0x4BA0]  }
0xa1: {  	v5 =	vld [tilespmem:s2+$0x4BB0]  }
0xa2: {  	v0 =	vld [tilespmem:s2+$0x4BC0]  }
0xa3: {  	v1 =	vld [tilespmem:s2+$0x4BD0]  }
0xa4: {  	v18 =	vld [tilespmem:s2+$0x4B00]  }
0xa5: {  	v20 =	vld [tilespmem:s2+$0x4B10]  }
0xa6: {  	v17 =	vld [tilespmem:s2+$0x4B20]  }
0xa7: {  	v19 =	vld [tilespmem:s2+$0x4B30]  }
0xa8: {  	v11 =	vimm.f32 $0.0e+00;
	v12 =	vimm.f32 $0.0e+00;
	v14 =	vld [tilespmem:s2+$0x4B40]  }
0xa9: {  	v13 =	vimm.f32 $0.0e+00;
	v9 =	vimm.f32 $0.0e+00;
	v10 =	vimm.f32 $0.0e+00;
	v15 =	vld [tilespmem:s2+$0x4B50]  }
0xaa: {  	v8 =	vimm.f32 $0.0e+00;
	v6 =	vimm.f32 $0.0e+00;
	v7 =	vimm.f32 $0.0e+00;
	s10 =	simm.s32 $0x400;
	v16 =	vld [tilespmem:s2+$0x4B60]  }
.LBB2_8:
0xab: {  	p1 =	sne.s32 s10, $0x6000;
	v10 =	vadd.f32 v18, v10;
	v11 =	vadd.f32 v20, v11;
	v18 =	vld [tilespmem:s2+$0x4B70]  }
0xac: {  	v12 =	vadd.f32 v17, v12;
	v13 =	vadd.f32 v19, v13;
	v17 =	vld [tilespmem:s2+$0x4BE0]  }
0xad: {  	v10 =	vadd.f32 v2, v10;
	v11 =	vadd.f32 v4, v11;
	v19 =	vld [tilespmem:s2+$0x4BF0];
	s2 =	sshra.s32 s10, $0x2  }
0xae: {  	v12 =	vadd.f32 v3, v12;
	v2 =	vld [tilespmem:s2+$0x4B80];
	v13 =	vadd.f32 v5, v13  }
0xaf: {  	v6 =	vadd.f32 v14, v6;
	v7 =	vadd.f32 v15, v7;
	v4 =	vld [tilespmem:s2+$0x4B90]  }
0xb0: {  	v9 =	vadd.f32 v16, v9;
	v3 =	vld [tilespmem:s2+$0x4BA0];
	v8 =	vadd.f32 v18, v8  }
0xb1: {  	v6 =	vadd.f32 v0, v6;
	v7 =	vadd.f32 v1, v7;
	v5 =	vld [tilespmem:s2+$0x4BB0]  }
0xb2: {  	v9 =	vadd.f32 v17, v9;
	v0 =	vld [tilespmem:s2+$0x4BC0];
	v8 =	vadd.f32 v19, v8  }
0xb3: {  	v1 =	vld [tilespmem:s2+$0x4BD0]  }
0xb4: {  	v18 =	vld [tilespmem:s2+$0x4B00]  }
0xb5: {  	v20 =	vld [tilespmem:s2+$0x4B10]  }
.Ltmp2:
0xb6: {  	v17 =	vld [tilespmem:s2+$0x4B20];
	(pc) =	sbr.rel @p1 .LBB2_8-.Ltmp2, $4  }
0xb7: {  	v19 =	vld [tilespmem:s2+$0x4B30]  }
0xb8: {  	v14 =	vld [tilespmem:s2+$0x4B40]  }
0xb9: {  	v15 =	vld [tilespmem:s2+$0x4B50]  }
0xba: {  	s10 =	sadd.s32 $0x400, s10;
	v16 =	vld [tilespmem:s2+$0x4B60]  }
0xbb: {  	v10 =	vadd.f32 v18, v10;
	v11 =	vadd.f32 v20, v11;
	v18 =	vld [tilespmem:s2+$0x4B70]  }
0xbc: {  	v12 =	vadd.f32 v17, v12;
	v17 =	vld [tilespmem:s2+$0x4BE0];
	v13 =	vadd.f32 v19, v13  }
0xbd: {  	v2 =	vadd.f32 v2, v10;
	v4 =	vadd.f32 v4, v11;
	v10 =	vld [tilespmem:s2+$0x4BF0]  }
0xbe: {  	v3 =	vadd.f32 v3, v12;
	v6 =	vadd.f32 v14, v6  }
0xbf: {  	v5 =	vadd.f32 v5, v13;
	v9 =	vadd.f32 v16, v9  }
0xc0: {  	v7 =	vadd.f32 v15, v7;
	v8 =	vadd.f32 v18, v8  }
0xc1: {  	v0 =	vadd.f32 v0, v6;
	v6 =	vadd.f32 v17, v9  }
0xc2: {  	v1 =	vadd.f32 v1, v7;
	v7 =	vadd.f32 v10, v8  }
0xc3: {  	v2 =	vadd.f32 v3, v2;
	v0 =	vadd.f32 v6, v0  }
0xc4: {  	v3 =	vadd.f32 v5, v4;
	v1 =	vadd.f32 v7, v1  }
0xc5: {  	v0 =	vadd.f32 v0, v2  }
0xc6: {  	v1 =	vadd.f32 v1, v3  }
0xc7: {  	v0 =	vmul.f32 $4.999999890e-03, v0  }
0xc8: {  	v1 =	vmul.f32 $4.999999890e-03, v1  }
0xc9: {  	[tilespmem:s1+$0x7D40] =	vst v0  }
0xca: {  	[tilespmem:s1+$0x7D50] =	vst v1  }
0xcb: {  	_ =	swait.ge [sflag:s29], $0x1000  }
0xcc: {  	[sflag:s29] =	ssyncset.done $0x0  }
0xcd: {  	[sflag:s29] =	ssyncadd.s32 $0xFFFFF000  }
0xce: {  	_ =	swait.ge [sflag:s29], $0x900  }
0xcf: {  	s10 =	simm.s32 @!p0 $0x80;
	[sflag:s29] =	ssyncset.done $0x0  }
0xd0: {  	s12 =	simm.s32 @!p0 $0x6400;
	s2 =	sadd.s32 @!p0 $0x578, s31;
	[sflag:s29] =	ssyncadd.s32 $0xFFFFF700  }
0xd1: {  	[tilespmem:s12], [sflag:$0x4] =	stream.indirect.gather @!p0 [hbm4b:s5+s10], $0x20, s2, s10, $0xb8;
	[tilespmem:$0x8100] =	vst v63  }
0xd2: {  	s2 =	sadd.s32 @!p0 $0x5F8, s31;
	s10 =	simm.s32 @!p0 $0x48;
	s12 =	simm.s32 @!p0 $0x7400  }
0xd3: {  	[tilespmem:s12], [sflag:$0x4] =	stream.indirect.gather @!p0 [hbm4b:s5+s10], $0x20, s2, s10, $0xb8;
	[tilespmem:$0x8100] =	vst v63  }
0xd4: {  	s2 =	simm.s32 $0x0  }
0xd5: {  	v2 =	vld [tilespmem:s2+$0x6480]  }
0xd6: {  	v4 =	vld [tilespmem:s2+$0x6490]  }
0xd7: {  	v3 =	vld [tilespmem:s2+$0x64A0]  }
0xd8: {  	v5 =	vld [tilespmem:s2+$0x64B0]  }
0xd9: {  	v0 =	vld [tilespmem:s2+$0x64C0]  }
0xda: {  	v1 =	vld [tilespmem:s2+$0x64D0]  }
0xdb: {  	v18 =	vld [tilespmem:s2+$0x6400]  }
0xdc: {  	v20 =	vld [tilespmem:s2+$0x6410]  }
0xdd: {  	v17 =	vld [tilespmem:s2+$0x6420]  }
0xde: {  	v19 =	vld [tilespmem:s2+$0x6430]  }
0xdf: {  	v11 =	vimm.f32 $0.0e+00;
	v12 =	vimm.f32 $0.0e+00;
	v14 =	vld [tilespmem:s2+$0x6440]  }
0xe0: {  	v13 =	vimm.f32 $0.0e+00;
	v9 =	vimm.f32 $0.0e+00;
	v10 =	vimm.f32 $0.0e+00;
	v15 =	vld [tilespmem:s2+$0x6450]  }
0xe1: {  	v8 =	vimm.f32 $0.0e+00;
	v6 =	vimm.f32 $0.0e+00;
	v7 =	vimm.f32 $0.0e+00;
	s10 =	simm.s32 $0x400;
	v16 =	vld [tilespmem:s2+$0x6460]  }
.LBB2_10:
0xe2: {  	p0 =	sne.s32 s10, $0x6000;
	v10 =	vadd.f32 v18, v10;
	v11 =	vadd.f32 v20, v11;
	v18 =	vld [tilespmem:s2+$0x6470]  }
0xe3: {  	v12 =	vadd.f32 v17, v12;
	v13 =	vadd.f32 v19, v13;
	v17 =	vld [tilespmem:s2+$0x64E0]  }
0xe4: {  	v10 =	vadd.f32 v2, v10;
	v11 =	vadd.f32 v4, v11;
	v19 =	vld [tilespmem:s2+$0x64F0];
	s2 =	sshra.s32 s10, $0x2  }
0xe5: {  	v12 =	vadd.f32 v3, v12;
	v2 =	vld [tilespmem:s2+$0x6480];
	v13 =	vadd.f32 v5, v13  }
0xe6: {  	v6 =	vadd.f32 v14, v6;
	v7 =	vadd.f32 v15, v7;
	v4 =	vld [tilespmem:s2+$0x6490]  }
0xe7: {  	v9 =	vadd.f32 v16, v9;
	v3 =	vld [tilespmem:s2+$0x64A0];
	v8 =	vadd.f32 v18, v8  }
0xe8: {  	v6 =	vadd.f32 v0, v6;
	v7 =	vadd.f32 v1, v7;
	v5 =	vld [tilespmem:s2+$0x64B0]  }
0xe9: {  	v9 =	vadd.f32 v17, v9;
	v0 =	vld [tilespmem:s2+$0x64C0];
	v8 =	vadd.f32 v19, v8  }
0xea: {  	v1 =	vld [tilespmem:s2+$0x64D0]  }
0xeb: {  	v18 =	vld [tilespmem:s2+$0x6400]  }
0xec: {  	v20 =	vld [tilespmem:s2+$0x6410]  }
.Ltmp3:
0xed: {  	v17 =	vld [tilespmem:s2+$0x6420];
	(pc) =	sbr.rel @p0 .LBB2_10-.Ltmp3, $4  }
0xee: {  	v19 =	vld [tilespmem:s2+$0x6430]  }
0xef: {  	v14 =	vld [tilespmem:s2+$0x6440]  }
0xf0: {  	v15 =	vld [tilespmem:s2+$0x6450]  }
0xf1: {  	s10 =	sadd.s32 $0x400, s10;
	v16 =	vld [tilespmem:s2+$0x6460]  }
0xf2: {  	v10 =	vadd.f32 v18, v10;
	v11 =	vadd.f32 v20, v11;
	v58 =	vld [tilespmem:s2+$0x6470]  }
0xf3: {  	v12 =	vadd.f32 v17, v12;
	v59 =	vld [tilespmem:s2+$0x64E0];
	v13 =	vadd.f32 v19, v13  }
0xf4: {  	v60 =	vld [tilespmem:s2+$0x64F0];
	v2 =	vadd.f32 v2, v10;
	v4 =	vadd.f32 v4, v11  }
0xf5: {  	v3 =	vadd.f32 v3, v12;
	v6 =	vadd.f32 v14, v6  }
0xf6: {  	v5 =	vadd.f32 v5, v13;
	v9 =	vadd.f32 v16, v9  }
0xf7: {  	v7 =	vadd.f32 v15, v7;
	v8 =	vadd.f32 v58, v8  }
0xf8: {  	v0 =	vadd.f32 v0, v6;
	v61 =	vadd.f32 v59, v9  }
0xf9: {  	v1 =	vadd.f32 v1, v7;
	v62 =	vadd.f32 v60, v8  }
0xfa: {  	v2 =	vadd.f32 v3, v2;
	v0 =	vadd.f32 v61, v0  }
0xfb: {  	s7 =	sadd.s32 $0x1, s7;
	v63 =	vadd.f32 v5, v4;
	v1 =	vadd.f32 v62, v1  }
0xfc: {  	p0 =	sne.s32 s7, $0x8;
	v0 =	vadd.f32 v0, v2  }
.Ltmp4:
0xfd: {  	v1 =	vadd.f32 v1, v63;
	(pc) =	sbr.rel @p0 .LBB2_3-.Ltmp4, $4  }
0xfe: {  	v0 =	vmul.f32 $4.999999890e-03, v0  }
0xff: {  	v1 =	vmul.f32 $4.999999890e-03, v1  }
0x100: {  	[tilespmem:s1+$0x7D60] =	vst v0  }
0x101: {  	[tilespmem:s1+$0x7D70] =	vst v1  }
0x102: {  	s0 =	sadd.s32 $0x1, s0  }
0x103: {  	s1 =	sshll.u32 s3, $0x2;
	s2 =	rddreg [dreg:$0x1];
	p0 =	sne.s32 s0, $0x10  }
.Ltmp5:
0x104: {  	s31 =	simm.s32 $0x0;
	s1 =	sadd.s32 s2, s1;
	(pc) =	sbr.rel @p0 .LBB2_2-.Ltmp5, $4  }
0x105: {  	[hbm4b:s1+s31] =	stream.linear.scatter [tilespmem:s30], [sflag:$0x5], $0x400, $0x38;
	[tilespmem:$0x8100] =	vst v63  }
0x106: {  	_ =	swait.ge [sflag:s8], $0x400  }
0x107: {  	[sflag:s8] =	ssyncset.done $0x0  }
0x108: {  	[sflag:s8] =	ssyncadd.s32 $0xFFFFFC00  }
0x109: {  	s1 =	rddreg [dreg:$0x4]  }
0x10a: {  	s0 =	rddreg [dreg:$0x3];
	s1 =	sadd.s32 $0x1, s1  }
0x10b: {  	p0 =	sne.s32 s1, s0  }
.Ltmp6:
0x10c: {  	_ = 	snop;
	(pc) =	sbr.rel @p0 .LBB2_1-.Ltmp6, $1  }
0x10d: {  	_ =	sdelay $0x3  }
0x10e: {  	_ =	sfence.sel $0x180000  }
0x10f: {  	[bflag:$0x0] =	sbarrier.arrive $0xFFFF  }
0x110: {  	_ =	strace $0x90000047  }
0x111: {  	s0 =	stileid.u32;
	[bflag:$0x2] =	sbarrier.arrive $0xFFFF  }
0x112: {  	p0 =	sne.s32 s0, $0x0;
	s0 =	rddreg [dreg:$0x2]  }
0x113: {  	s0 =	sadd.s32 @!p0 $0x100000, s0  }
0x114: {  	[sflag:s0] =	ssyncadd.tile.s32 @!p0 $0x1;
	_ =	shalt  }
.Lfunc_end2:
_tile_overlayer_lowered:
.L_overlay_start_2:
0x115: {  	(tag) =	ssettag $0x2  }
0x116: {  	s0 =	rddreg [dreg:$0x0];
	s2 =	stileid.u32  }
0x117: {  	s1 =	rddreg [dreg:$0x1];
	p0 =	sne.s32 s2, $0x0  }
0x118: {  	s3 =	rddreg [dreg:$0x2];
	[bflag:$0x3] =	sbarrier.arrive $0xFFFF;
	s2 =	simm.s32 @!p0 $0x1C05  }
0x119: {  	[timem:s3], [sflag:s2] =	dma.local @!p0 [hbm:s0], s1  }
0x11a: {  	s0 =	simm.s32 @!p0 $0x5  }
0x11b: {  	_ =	swait.ge @!p0 [sflag:s0], s1  }
0x11c: {  	s1 =	ssub.s32 @!p0 $0x0, s1;
	[sflag:s0] =	ssyncset.done @!p0 $0x0  }
0x11d: {  	[sflag:s0] =	ssyncadd.s32 @!p0 s1  }
0x11e: {  	[bflag:$0x3] =	sbarrier.arrive $0xFFFF  }
0x11f: {  	_ =	shalt  }

</sc_bundles>
